<compile_context>
chip_gen: v7x
topology: tpu7x:2x2x1
jax: 0.10.2.dev20260603
libtpu: 0.0.44.dev20260713+nightly
codegen_flags: <defaults>
</compile_context>

<pallas_src>
import functools

import jax
import jax.numpy as jnp
from jax import lax
from jax.experimental import pallas as pl
from jax.experimental.pallas import tpu as pltpu
from jax.experimental.pallas import tpu_sc as plsc

VOCAB = 128
EMBED_DIM = 64
BATCH = 16384
SEQ = 200

NC = 2
NS = 16
LANES = 16
NW = NC * NS

N = BATCH * SEQ
PER_W = N // NW
CHUNK = 512
N_CHUNKS = PER_W // CHUNK
GROUPS = CHUNK // LANES


@functools.partial(
    pl.kernel,
    out_type=jax.ShapeDtypeStruct((N * EMBED_DIM,), jnp.float32),
    mesh=plsc.VectorSubcoreMesh(core_axis_name="c", subcore_axis_name="s"),
    scratch_types=[
        pltpu.VMEM((VOCAB * EMBED_DIM,), jnp.float32),
        pltpu.VMEM((CHUNK,), jnp.int32),
        pltpu.VMEM((CHUNK * EMBED_DIM,), jnp.float32),
    ],
    compiler_params=pltpu.CompilerParams(needs_layout_passes=False),
)
def _sc_embed(table_hbm, idx_hbm, out_hbm, table_v, idx_v, out_v):
    wid = lax.axis_index("s") * NC + lax.axis_index("c")
    base = wid * PER_W
    pltpu.sync_copy(table_hbm, table_v)
    lane = lax.iota(jnp.int32, 16)
    lane_off = lane * EMBED_DIM

    def chunk_body(ci, carry):
        off = base + ci * CHUNK
        pltpu.sync_copy(idx_hbm.at[pl.ds(off, CHUNK)], idx_v)

        def group_body(g, c2):
            iv = idx_v[pl.ds(g * LANES, LANES)]
            src = iv * EMBED_DIM
            dst = g * (LANES * EMBED_DIM) + lane_off
            for c in range(EMBED_DIM):
                vals = plsc.load_gather(table_v, [src + c])
                plsc.store_scatter(out_v, [dst + c], vals)
            return c2

        lax.fori_loop(0, GROUPS, group_body, 0)
        pltpu.sync_copy(out_v, out_hbm.at[pl.ds(off * EMBED_DIM,
                                                CHUNK * EMBED_DIM)])
        return carry

    lax.fori_loop(0, N_CHUNKS, chunk_body, 0)


def kernel(int_batch, table):
    idx_flat = int_batch.reshape(-1).astype(jnp.int32)
    table_flat = table.reshape(-1)
    out = _sc_embed(table_flat, idx_flat)
    return out.reshape(BATCH, SEQ, EMBED_DIM)

# --- scband reference (transcript-rebuilt; emitter-appended) ---
"""Pipeline reference for scband-char-encoding-23691039605410 (READ-ONLY COPY).

The authoritative reference and input builder live on the scoring server;
editing this copy changes nothing except your own understanding.
"""

import jax, jax.numpy as jnp
import numpy as np

VOCAB = 128
EMBED_DIM = 64
BATCH = 16384
SEQ = 200


def setup_inputs(seed: int = 0) -> dict:
    key = jax.random.key(seed)
    k_idx, k_tab = jax.random.split(key)
    int_batch = jax.random.randint(k_idx, (BATCH, SEQ), 0, VOCAB, dtype=jnp.int64 if jax.config.jax_enable_x64 else jnp.int32)
    table = jax.random.normal(k_tab, (VOCAB, EMBED_DIM), dtype=jnp.float32)
    return {"int_batch": int_batch, "table": table}


def reference(int_batch, table):
    # Faithful to nn.Embedding(128, embedding_dim)(int_batch): row gather from the table.
    return jnp.take(table, int_batch, axis=0)

if __name__ == "__main__":
    import jax
    _d = setup_inputs()
    print(jax.jit(kernel)(*tuple(_d.values())))

</pallas_src>

<mosaic_0001>
#map = affine_map<(d0, d1) -> (0)>
module attributes {stable_mosaic.version = 14 : i64} {
  func.func @_sc_embed(%arg0: i32, %arg1: i32, %arg2: memref<8192xf32, #tpu.memory_space<hbm>>, %arg3: memref<3276800xi32, #tpu.memory_space<hbm>>, %arg4: memref<209715200xf32, #tpu.memory_space<hbm>>, %arg5: memref<8192xf32, #tpu.memory_space<vmem>>, %arg6: memref<512xi32, #tpu.memory_space<vmem>>, %arg7: memref<32768xf32, #tpu.memory_space<vmem>>) attributes {dimension_semantics = [#tpu.dimension_semantics<core_parallel>, #tpu.dimension_semantics<subcore_parallel>], iteration_bounds = array<i64: 2, 16>, scalar_prefetch = 0 : i64, scratch_operands = 3 : i64, tpu.core_type = #tpu.core_type<sc_vector_subcore>, window_params = [{transform_indices = #map}, {transform_indices = #map}, {transform_indices = #map}]} {
    %mul3A = arith.constant 2 : i32
    %mul3A_0 = arith.muli %arg1, %mul3A : i32
    %add3A = arith.addi %mul3A_0, %arg0 : i32
    %mul3A_1 = arith.constant 102400 : i32
    %mul3A_2 = arith.muli %add3A, %mul3A_1 : i32
    "tpu.region"() ({
      %run_scoped3A = tpu.sem_alloc : memref<!tpu.dma_semaphore, #tpu.memory_space<semaphore_mem>>
      tpu.enqueue_dma source(%arg2 : memref<8192xf32, #tpu.memory_space<hbm>>) target(%arg5 : memref<8192xf32, #tpu.memory_space<vmem>>) target_semaphore(%run_scoped3A : memref<!tpu.dma_semaphore, #tpu.memory_space<semaphore_mem>>)
      tpu.wait_dma2 semaphore(%run_scoped3A : memref<!tpu.dma_semaphore, #tpu.memory_space<semaphore_mem>>) src(%arg2 : memref<8192xf32, #tpu.memory_space<hbm>>) dst(%arg5 : memref<8192xf32, #tpu.memory_space<vmem>>)
      tpu.yield
    }) : () -> ()
    %iota3A = tpu.iota {dimensions = array<i32: 0>} : vector<16xi32>
    %mul3A_3 = arith.constant 64 : i32
    %mul3A_4 = vector.broadcast %mul3A_3 : i32 to vector<16xi32>
    %mul3A_5 = arith.muli %iota3A, %mul3A_4 : vector<16xi32>
    %scan3A = arith.constant 0 : i32
    %scan3A_6 = arith.constant 0 : i32
    %scan3A_7 = arith.constant 200 : i32
    %scan3A_8 = arith.addi %scan3A_6, %scan3A_7 : i32
    %scan3A_9 = arith.constant 1 : i32
    scf.for %scan3A_11 = %scan3A_6 to %scan3A_8 step %scan3A_9  : i32 {
      %mul3A_12 = arith.constant 512 : i32
      %mul3A_13 = arith.muli %scan3A_11, %mul3A_12 : i32
      %add3A_14 = arith.addi %mul3A_2, %mul3A_13 : i32
      "tpu.region"() ({
        %run_scoped3A = tpu.sem_alloc : memref<!tpu.dma_semaphore, #tpu.memory_space<semaphore_mem>>
        %dma_start3A = tpu.memref_slice %arg3[%add3A_14] : memref<3276800xi32, #tpu.memory_space<hbm>> -> memref<512xi32, #tpu.memory_space<hbm>>
        %dma_start3A_23 = tpu.memref_slice %arg3[%add3A_14] : memref<3276800xi32, #tpu.memory_space<hbm>> -> memref<512xi32, #tpu.memory_space<hbm>>
        tpu.enqueue_dma source(%dma_start3A_23 : memref<512xi32, #tpu.memory_space<hbm>>) target(%arg6 : memref<512xi32, #tpu.memory_space<vmem>>) target_semaphore(%run_scoped3A : memref<!tpu.dma_semaphore, #tpu.memory_space<semaphore_mem>>)
        %dma_wait3A = tpu.memref_slice %arg3[%add3A_14] : memref<3276800xi32, #tpu.memory_space<hbm>> -> memref<512xi32, #tpu.memory_space<hbm>>
        %dma_wait3A_24 = tpu.memref_slice %arg3[%add3A_14] : memref<3276800xi32, #tpu.memory_space<hbm>> -> memref<512xi32, #tpu.memory_space<hbm>>
        tpu.wait_dma2 semaphore(%run_scoped3A : memref<!tpu.dma_semaphore, #tpu.memory_space<semaphore_mem>>) src(%dma_wait3A_24 : memref<512xi32, #tpu.memory_space<hbm>>) dst(%arg6 : memref<512xi32, #tpu.memory_space<vmem>>)
        tpu.yield
      }) : () -> ()
      %scan3A_15 = arith.constant 0 : i32
      %scan3A_16 = arith.constant 0 : i32
      %scan3A_17 = arith.constant 32 : i32
      %scan3A_18 = arith.addi %scan3A_16, %scan3A_17 : i32
      %scan3A_19 = arith.constant 1 : i32
      scf.for %scan3A_23 = %scan3A_16 to %scan3A_18 step %scan3A_19  : i32 {
        %mul3A_24 = arith.constant 16 : i32
        %mul3A_25 = arith.muli %scan3A_23, %mul3A_24 : i32
        %get3A = arith.index_cast %mul3A_25 : i32 to index
        %get3A_26 = tpu.vector_load %arg6[%get3A] {strides = array<i32>} : memref<512xi32, #tpu.memory_space<vmem>>, vector<16xi32>,
        %mul3A_27 = arith.constant 64 : i32
        %mul3A_28 = vector.broadcast %mul3A_27 : i32 to vector<16xi32>
        %mul3A_29 = arith.muli %get3A_26, %mul3A_28 : vector<16xi32>
        %mul3A_30 = arith.constant 1024 : i32
        %mul3A_31 = arith.muli %scan3A_23, %mul3A_30 : i32
        %add3A_32 = vector.broadcast %mul3A_31 : i32 to vector<16xi32>
        %add3A_33 = arith.addi %add3A_32, %mul3A_5 : vector<16xi32>
        %add3A_34 = arith.constant 0 : i32
        %add3A_35 = vector.broadcast %add3A_34 : i32 to vector<16xi32>
        %add3A_36 = arith.addi %mul3A_29, %add3A_35 : vector<16xi32>
        %gather3A = tpu.vector_load_idx %arg5[%add3A_36] : memref<8192xf32, #tpu.memory_space<vmem>>[vector<16xi32>], vector<16xf32>,
        %add3A_37 = arith.constant 0 : i32
        %add3A_38 = vector.broadcast %add3A_37 : i32 to vector<16xi32>
        %add3A_39 = arith.addi %add3A_33, %add3A_38 : vector<16xi32>
        tpu.vector_store_idx %arg7[%add3A_39], %gather3A : memref<32768xf32, #tpu.memory_space<vmem>>[vector<16xi32>], vector<16xf32>,
        %add3A_40 = arith.constant 1 : i32
        %add3A_41 = vector.broadcast %add3A_40 : i32 to vector<16xi32>
        %add3A_42 = arith.addi %mul3A_29, %add3A_41 : vector<16xi32>
        %gather3A_43 = tpu.vector_load_idx %arg5[%add3A_42] : memref<8192xf32, #tpu.memory_space<vmem>>[vector<16xi32>], vector<16xf32>,
        %add3A_44 = arith.constant 1 : i32
        %add3A_45 = vector.broadcast %add3A_44 : i32 to vector<16xi32>
        %add3A_46 = arith.addi %add3A_33, %add3A_45 : vector<16xi32>
        tpu.vector_store_idx %arg7[%add3A_46], %gather3A_43 : memref<32768xf32, #tpu.memory_space<vmem>>[vector<16xi32>], vector<16xf32>,
        %add3A_47 = arith.constant 2 : i32
        %add3A_48 = vector.broadcast %add3A_47 : i32 to vector<16xi32>
        %add3A_49 = arith.addi %mul3A_29, %add3A_48 : vector<16xi32>
        %gather3A_50 = tpu.vector_load_idx %arg5[%add3A_49] : memref<8192xf32, #tpu.memory_space<vmem>>[vector<16xi32>], vector<16xf32>,
        %add3A_51 = arith.constant 2 : i32
        %add3A_52 = vector.broadcast %add3A_51 : i32 to vector<16xi32>
        %add3A_53 = arith.addi %add3A_33, %add3A_52 : vector<16xi32>
        tpu.vector_store_idx %arg7[%add3A_53], %gather3A_50 : memref<32768xf32, #tpu.memory_space<vmem>>[vector<16xi32>], vector<16xf32>,
        %add3A_54 = arith.constant 3 : i32
        %add3A_55 = vector.broadcast %add3A_54 : i32 to vector<16xi32>
        %add3A_56 = arith.addi %mul3A_29, %add3A_55 : vector<16xi32>
        %gather3A_57 = tpu.vector_load_idx %arg5[%add3A_56] : memref<8192xf32, #tpu.memory_space<vmem>>[vector<16xi32>], vector<16xf32>,
        %add3A_58 = arith.constant 3 : i32
        %add3A_59 = vector.broadcast %add3A_58 : i32 to vector<16xi32>
        %add3A_60 = arith.addi %add3A_33, %add3A_59 : vector<16xi32>
        tpu.vector_store_idx %arg7[%add3A_60], %gather3A_57 : memref<32768xf32, #tpu.memory_space<vmem>>[vector<16xi32>], vector<16xf32>,
        %add3A_61 = arith.constant 4 : i32
        %add3A_62 = vector.broadcast %add3A_61 : i32 to vector<16xi32>
        %add3A_63 = arith.addi %mul3A_29, %add3A_62 : vector<16xi32>
        %gather3A_64 = tpu.vector_load_idx %arg5[%add3A_63] : memref<8192xf32, #tpu.memory_space<vmem>>[vector<16xi32>], vector<16xf32>,
        %add3A_65 = arith.constant 4 : i32
        %add3A_66 = vector.broadcast %add3A_65 : i32 to vector<16xi32>
        %add3A_67 = arith.addi %add3A_33, %add3A_66 : vector<16xi32>
        tpu.vector_store_idx %arg7[%add3A_67], %gather3A_64 : memref<32768xf32, #tpu.memory_space<vmem>>[vector<16xi32>], vector<16xf32>,
        %add3A_68 = arith.constant 5 : i32
        %add3A_69 = vector.broadcast %add3A_68 : i32 to vector<16xi32>
        %add3A_70 = arith.addi %mul3A_29, %add3A_69 : vector<16xi32>
        %gather3A_71 = tpu.vector_load_idx %arg5[%add3A_70] : memref<8192xf32, #tpu.memory_space<vmem>>[vector<16xi32>], vector<16xf32>,
        %add3A_72 = arith.constant 5 : i32
        %add3A_73 = vector.broadcast %add3A_72 : i32 to vector<16xi32>
        %add3A_74 = arith.addi %add3A_33, %add3A_73 : vector<16xi32>
        tpu.vector_store_idx %arg7[%add3A_74], %gather3A_71 : memref<32768xf32, #tpu.memory_space<vmem>>[vector<16xi32>], vector<16xf32>,
        %add3A_75 = arith.constant 6 : i32
        %add3A_76 = vector.broadcast %add3A_75 : i32 to vector<16xi32>
        %add3A_77 = arith.addi %mul3A_29, %add3A_76 : vector<16xi32>
        %gather3A_78 = tpu.vector_load_idx %arg5[%add3A_77] : memref<8192xf32, #tpu.memory_space<vmem>>[vector<16xi32>], vector<16xf32>,
        %add3A_79 = arith.constant 6 : i32
        %add3A_80 = vector.broadcast %add3A_79 : i32 to vector<16xi32>
        %add3A_81 = arith.addi %add3A_33, %add3A_80 : vector<16xi32>
        tpu.vector_store_idx %arg7[%add3A_81], %gather3A_78 : memref<32768xf32, #tpu.memory_space<vmem>>[vector<16xi32>], vector<16xf32>,
        %add3A_82 = arith.constant 7 : i32
        %add3A_83 = vector.broadcast %add3A_82 : i32 to vector<16xi32>
        %add3A_84 = arith.addi %mul3A_29, %add3A_83 : vector<16xi32>
        %gather3A_85 = tpu.vector_load_idx %arg5[%add3A_84] : memref<8192xf32, #tpu.memory_space<vmem>>[vector<16xi32>], vector<16xf32>,
        %add3A_86 = arith.constant 7 : i32
        %add3A_87 = vector.broadcast %add3A_86 : i32 to vector<16xi32>
        %add3A_88 = arith.addi %add3A_33, %add3A_87 : vector<16xi32>
        tpu.vector_store_idx %arg7[%add3A_88], %gather3A_85 : memref<32768xf32, #tpu.memory_space<vmem>>[vector<16xi32>], vector<16xf32>,
        %add3A_89 = arith.constant 8 : i32
        %add3A_90 = vector.broadcast %add3A_89 : i32 to vector<16xi32>
        %add3A_91 = arith.addi %mul3A_29, %add3A_90 : vector<16xi32>
        %gather3A_92 = tpu.vector_load_idx %arg5[%add3A_91] : memref<8192xf32, #tpu.memory_space<vmem>>[vector<16xi32>], vector<16xf32>,
        %add3A_93 = arith.constant 8 : i32
        %add3A_94 = vector.broadcast %add3A_93 : i32 to vector<16xi32>
        %add3A_95 = arith.addi %add3A_33, %add3A_94 : vector<16xi32>
        tpu.vector_store_idx %arg7[%add3A_95], %gather3A_92 : memref<32768xf32, #tpu.memory_space<vmem>>[vector<16xi32>], vector<16xf32>,
        %add3A_96 = arith.constant 9 : i32
        %add3A_97 = vector.broadcast %add3A_96 : i32 to vector<16xi32>
        %add3A_98 = arith.addi %mul3A_29, %add3A_97 : vector<16xi32>
        %gather3A_99 = tpu.vector_load_idx %arg5[%add3A_98] : memref<8192xf32, #tpu.memory_space<vmem>>[vector<16xi32>], vector<16xf32>,
        %add3A_100 = arith.constant 9 : i32
        %add3A_101 = vector.broadcast %add3A_100 : i32 to vector<16xi32>
        %add3A_102 = arith.addi %add3A_33, %add3A_101 : vector<16xi32>
        tpu.vector_store_idx %arg7[%add3A_102], %gather3A_99 : memref<32768xf32, #tpu.memory_space<vmem>>[vector<16xi32>], vector<16xf32>,
        %add3A_103 = arith.constant 10 : i32
        %add3A_104 = vector.broadcast %add3A_103 : i32 to vector<16xi32>
        %add3A_105 = arith.addi %mul3A_29, %add3A_104 : vector<16xi32>
        %gather3A_106 = tpu.vector_load_idx %arg5[%add3A_105] : memref<8192xf32, #tpu.memory_space<vmem>>[vector<16xi32>], vector<16xf32>,
        %add3A_107 = arith.constant 10 : i32
        %add3A_108 = vector.broadcast %add3A_107 : i32 to vector<16xi32>
        %add3A_109 = arith.addi %add3A_33, %add3A_108 : vector<16xi32>
        tpu.vector_store_idx %arg7[%add3A_109], %gather3A_106 : memref<32768xf32, #tpu.memory_space<vmem>>[vector<16xi32>], vector<16xf32>,
        %add3A_110 = arith.constant 11 : i32
        %add3A_111 = vector.broadcast %add3A_110 : i32 to vector<16xi32>
        %add3A_112 = arith.addi %mul3A_29, %add3A_111 : vector<16xi32>
        %gather3A_113 = tpu.vector_load_idx %arg5[%add3A_112] : memref<8192xf32, #tpu.memory_space<vmem>>[vector<16xi32>], vector<16xf32>,
        %add3A_114 = arith.constant 11 : i32
        %add3A_115 = vector.broadcast %add3A_114 : i32 to vector<16xi32>
        %add3A_116 = arith.addi %add3A_33, %add3A_115 : vector<16xi32>
        tpu.vector_store_idx %arg7[%add3A_116], %gather3A_113 : memref<32768xf32, #tpu.memory_space<vmem>>[vector<16xi32>], vector<16xf32>,
        %add3A_117 = arith.constant 12 : i32
        %add3A_118 = vector.broadcast %add3A_117 : i32 to vector<16xi32>
        %add3A_119 = arith.addi %mul3A_29, %add3A_118 : vector<16xi32>
        %gather3A_120 = tpu.vector_load_idx %arg5[%add3A_119] : memref<8192xf32, #tpu.memory_space<vmem>>[vector<16xi32>], vector<16xf32>,
        %add3A_121 = arith.constant 12 : i32
        %add3A_122 = vector.broadcast %add3A_121 : i32 to vector<16xi32>
        %add3A_123 = arith.addi %add3A_33, %add3A_122 : vector<16xi32>
        tpu.vector_store_idx %arg7[%add3A_123], %gather3A_120 : memref<32768xf32, #tpu.memory_space<vmem>>[vector<16xi32>], vector<16xf32>,
        %add3A_124 = arith.constant 13 : i32
        %add3A_125 = vector.broadcast %add3A_124 : i32 to vector<16xi32>
        %add3A_126 = arith.addi %mul3A_29, %add3A_125 : vector<16xi32>
        %gather3A_127 = tpu.vector_load_idx %arg5[%add3A_126] : memref<8192xf32, #tpu.memory_space<vmem>>[vector<16xi32>], vector<16xf32>,
        %add3A_128 = arith.constant 13 : i32
        %add3A_129 = vector.broadcast %add3A_128 : i32 to vector<16xi32>
        %add3A_130 = arith.addi %add3A_33, %add3A_129 : vector<16xi32>
        tpu.vector_store_idx %arg7[%add3A_130], %gather3A_127 : memref<32768xf32, #tpu.memory_space<vmem>>[vector<16xi32>], vector<16xf32>,
        %add3A_131 = arith.constant 14 : i32
        %add3A_132 = vector.broadcast %add3A_131 : i32 to vector<16xi32>
        %add3A_133 = arith.addi %mul3A_29, %add3A_132 : vector<16xi32>
        %gather3A_134 = tpu.vector_load_idx %arg5[%add3A_133] : memref<8192xf32, #tpu.memory_space<vmem>>[vector<16xi32>], vector<16xf32>,
        %add3A_135 = arith.constant 14 : i32
        %add3A_136 = vector.broadcast %add3A_135 : i32 to vector<16xi32>
        %add3A_137 = arith.addi %add3A_33, %add3A_136 : vector<16xi32>
        tpu.vector_store_idx %arg7[%add3A_137], %gather3A_134 : memref<32768xf32, #tpu.memory_space<vmem>>[vector<16xi32>], vector<16xf32>,
        %add3A_138 = arith.constant 15 : i32
        %add3A_139 = vector.broadcast %add3A_138 : i32 to vector<16xi32>
        %add3A_140 = arith.addi %mul3A_29, %add3A_139 : vector<16xi32>
        %gather3A_141 = tpu.vector_load_idx %arg5[%add3A_140] : memref<8192xf32, #tpu.memory_space<vmem>>[vector<16xi32>], vector<16xf32>,
        %add3A_142 = arith.constant 15 : i32
        %add3A_143 = vector.broadcast %add3A_142 : i32 to vector<16xi32>
        %add3A_144 = arith.addi %add3A_33, %add3A_143 : vector<16xi32>
        tpu.vector_store_idx %arg7[%add3A_144], %gather3A_141 : memref<32768xf32, #tpu.memory_space<vmem>>[vector<16xi32>], vector<16xf32>,
        %add3A_145 = arith.constant 16 : i32
        %add3A_146 = vector.broadcast %add3A_145 : i32 to vector<16xi32>
        %add3A_147 = arith.addi %mul3A_29, %add3A_146 : vector<16xi32>
        %gather3A_148 = tpu.vector_load_idx %arg5[%add3A_147] : memref<8192xf32, #tpu.memory_space<vmem>>[vector<16xi32>], vector<16xf32>,
        %add3A_149 = arith.constant 16 : i32
        %add3A_150 = vector.broadcast %add3A_149 : i32 to vector<16xi32>
        %add3A_151 = arith.addi %add3A_33, %add3A_150 : vector<16xi32>
        tpu.vector_store_idx %arg7[%add3A_151], %gather3A_148 : memref<32768xf32, #tpu.memory_space<vmem>>[vector<16xi32>], vector<16xf32>,
        %add3A_152 = arith.constant 17 : i32
        %add3A_153 = vector.broadcast %add3A_152 : i32 to vector<16xi32>
        %add3A_154 = arith.addi %mul3A_29, %add3A_153 : vector<16xi32>
        %gather3A_155 = tpu.vector_load_idx %arg5[%add3A_154] : memref<8192xf32, #tpu.memory_space<vmem>>[vector<16xi32>], vector<16xf32>,
        %add3A_156 = arith.constant 17 : i32
        %add3A_157 = vector.broadcast %add3A_156 : i32 to vector<16xi32>
        %add3A_158 = arith.addi %add3A_33, %add3A_157 : vector<16xi32>
        tpu.vector_store_idx %arg7[%add3A_158], %gather3A_155 : memref<32768xf32, #tpu.memory_space<vmem>>[vector<16xi32>], vector<16xf32>,
        %add3A_159 = arith.constant 18 : i32
        %add3A_160 = vector.broadcast %add3A_159 : i32 to vector<16xi32>
        %add3A_161 = arith.addi %mul3A_29, %add3A_160 : vector<16xi32>
        %gather3A_162 = tpu.vector_load_idx %arg5[%add3A_161] : memref<8192xf32, #tpu.memory_space<vmem>>[vector<16xi32>], vector<16xf32>,
        %add3A_163 = arith.constant 18 : i32
        %add3A_164 = vector.broadcast %add3A_163 : i32 to vector<16xi32>
        %add3A_165 = arith.addi %add3A_33, %add3A_164 : vector<16xi32>
        tpu.vector_store_idx %arg7[%add3A_165], %gather3A_162 : memref<32768xf32, #tpu.memory_space<vmem>>[vector<16xi32>], vector<16xf32>,
        %add3A_166 = arith.constant 19 : i32
        %add3A_167 = vector.broadcast %add3A_166 : i32 to vector<16xi32>
        %add3A_168 = arith.addi %mul3A_29, %add3A_167 : vector<16xi32>
        %gather3A_169 = tpu.vector_load_idx %arg5[%add3A_168] : memref<8192xf32, #tpu.memory_space<vmem>>[vector<16xi32>], vector<16xf32>,
        %add3A_170 = arith.constant 19 : i32
        %add3A_171 = vector.broadcast %add3A_170 : i32 to vector<16xi32>
        %add3A_172 = arith.addi %add3A_33, %add3A_171 : vector<16xi32>
        tpu.vector_store_idx %arg7[%add3A_172], %gather3A_169 : memref<32768xf32, #tpu.memory_space<vmem>>[vector<16xi32>], vector<16xf32>,
        %add3A_173 = arith.constant 20 : i32
        %add3A_174 = vector.broadcast %add3A_173 : i32 to vector<16xi32>
        %add3A_175 = arith.addi %mul3A_29, %add3A_174 : vector<16xi32>
        %gather3A_176 = tpu.vector_load_idx %arg5[%add3A_175] : memref<8192xf32, #tpu.memory_space<vmem>>[vector<16xi32>], vector<16xf32>,
        %add3A_177 = arith.constant 20 : i32
        %add3A_178 = vector.broadcast %add3A_177 : i32 to vector<16xi32>
        %add3A_179 = arith.addi %add3A_33, %add3A_178 : vector<16xi32>
        tpu.vector_store_idx %arg7[%add3A_179], %gather3A_176 : memref<32768xf32, #tpu.memory_space<vmem>>[vector<16xi32>], vector<16xf32>,
        %add3A_180 = arith.constant 21 : i32
        %add3A_181 = vector.broadcast %add3A_180 : i32 to vector<16xi32>
        %add3A_182 = arith.addi %mul3A_29, %add3A_181 : vector<16xi32>
        %gather3A_183 = tpu.vector_load_idx %arg5[%add3A_182] : memref<8192xf32, #tpu.memory_space<vmem>>[vector<16xi32>], vector<16xf32>,
        %add3A_184 = arith.constant 21 : i32
        %add3A_185 = vector.broadcast %add3A_184 : i32 to vector<16xi32>
        %add3A_186 = arith.addi %add3A_33, %add3A_185 : vector<16xi32>
        tpu.vector_store_idx %arg7[%add3A_186], %gather3A_183 : memref<32768xf32, #tpu.memory_space<vmem>>[vector<16xi32>], vector<16xf32>,
        %add3A_187 = arith.constant 22 : i32
        %add3A_188 = vector.broadcast %add3A_187 : i32 to vector<16xi32>
        %add3A_189 = arith.addi %mul3A_29, %add3A_188 : vector<16xi32>
        %gather3A_190 = tpu.vector_load_idx %arg5[%add3A_189] : memref<8192xf32, #tpu.memory_space<vmem>>[vector<16xi32>], vector<16xf32>,
        %add3A_191 = arith.constant 22 : i32
        %add3A_192 = vector.broadcast %add3A_191 : i32 to vector<16xi32>
        %add3A_193 = arith.addi %add3A_33, %add3A_192 : vector<16xi32>
        tpu.vector_store_idx %arg7[%add3A_193], %gather3A_190 : memref<32768xf32, #tpu.memory_space<vmem>>[vector<16xi32>], vector<16xf32>,
        %add3A_194 = arith.constant 23 : i32
        %add3A_195 = vector.broadcast %add3A_194 : i32 to vector<16xi32>
        %add3A_196 = arith.addi %mul3A_29, %add3A_195 : vector<16xi32>
        %gather3A_197 = tpu.vector_load_idx %arg5[%add3A_196] : memref<8192xf32, #tpu.memory_space<vmem>>[vector<16xi32>], vector<16xf32>,
        %add3A_198 = arith.constant 23 : i32
        %add3A_199 = vector.broadcast %add3A_198 : i32 to vector<16xi32>
        %add3A_200 = arith.addi %add3A_33, %add3A_199 : vector<16xi32>
        tpu.vector_store_idx %arg7[%add3A_200], %gather3A_197 : memref<32768xf32, #tpu.memory_space<vmem>>[vector<16xi32>], vector<16xf32>,
        %add3A_201 = arith.constant 24 : i32
        %add3A_202 = vector.broadcast %add3A_201 : i32 to vector<16xi32>
        %add3A_203 = arith.addi %mul3A_29, %add3A_202 : vector<16xi32>
        %gather3A_204 = tpu.vector_load_idx %arg5[%add3A_203] : memref<8192xf32, #tpu.memory_space<vmem>>[vector<16xi32>], vector<16xf32>,
        %add3A_205 = arith.constant 24 : i32
        %add3A_206 = vector.broadcast %add3A_205 : i32 to vector<16xi32>
        %add3A_207 = arith.addi %add3A_33, %add3A_206 : vector<16xi32>
        tpu.vector_store_idx %arg7[%add3A_207], %gather3A_204 : memref<32768xf32, #tpu.memory_space<vmem>>[vector<16xi32>], vector<16xf32>,
        %add3A_208 = arith.constant 25 : i32
        %add3A_209 = vector.broadcast %add3A_208 : i32 to vector<16xi32>
        %add3A_210 = arith.addi %mul3A_29, %add3A_209 : vector<16xi32>
        %gather3A_211 = tpu.vector_load_idx %arg5[%add3A_210] : memref<8192xf32, #tpu.memory_space<vmem>>[vector<16xi32>], vector<16xf32>,
        %add3A_212 = arith.constant 25 : i32
        %add3A_213 = vector.broadcast %add3A_212 : i32 to vector<16xi32>
        %add3A_214 = arith.addi %add3A_33, %add3A_213 : vector<16xi32>
        tpu.vector_store_idx %arg7[%add3A_214], %gather3A_211 : memref<32768xf32, #tpu.memory_space<vmem>>[vector<16xi32>], vector<16xf32>,
        %add3A_215 = arith.constant 26 : i32
        %add3A_216 = vector.broadcast %add3A_215 : i32 to vector<16xi32>
        %add3A_217 = arith.addi %mul3A_29, %add3A_216 : vector<16xi32>
        %gather3A_218 = tpu.vector_load_idx %arg5[%add3A_217] : memref<8192xf32, #tpu.memory_space<vmem>>[vector<16xi32>], vector<16xf32>,
        %add3A_219 = arith.constant 26 : i32
        %add3A_220 = vector.broadcast %add3A_219 : i32 to vector<16xi32>
        %add3A_221 = arith.addi %add3A_33, %add3A_220 : vector<16xi32>
        tpu.vector_store_idx %arg7[%add3A_221], %gather3A_218 : memref<32768xf32, #tpu.memory_space<vmem>>[vector<16xi32>], vector<16xf32>,
        %add3A_222 = arith.constant 27 : i32
        %add3A_223 = vector.broadcast %add3A_222 : i32 to vector<16xi32>
        %add3A_224 = arith.addi %mul3A_29, %add3A_223 : vector<16xi32>
        %gather3A_225 = tpu.vector_load_idx %arg5[%add3A_224] : memref<8192xf32, #tpu.memory_space<vmem>>[vector<16xi32>], vector<16xf32>,
        %add3A_226 = arith.constant 27 : i32
        %add3A_227 = vector.broadcast %add3A_226 : i32 to vector<16xi32>
        %add3A_228 = arith.addi %add3A_33, %add3A_227 : vector<16xi32>
        tpu.vector_store_idx %arg7[%add3A_228], %gather3A_225 : memref<32768xf32, #tpu.memory_space<vmem>>[vector<16xi32>], vector<16xf32>,
        %add3A_229 = arith.constant 28 : i32
        %add3A_230 = vector.broadcast %add3A_229 : i32 to vector<16xi32>
        %add3A_231 = arith.addi %mul3A_29, %add3A_230 : vector<16xi32>
        %gather3A_232 = tpu.vector_load_idx %arg5[%add3A_231] : memref<8192xf32, #tpu.memory_space<vmem>>[vector<16xi32>], vector<16xf32>,
        %add3A_233 = arith.constant 28 : i32
        %add3A_234 = vector.broadcast %add3A_233 : i32 to vector<16xi32>
        %add3A_235 = arith.addi %add3A_33, %add3A_234 : vector<16xi32>
        tpu.vector_store_idx %arg7[%add3A_235], %gather3A_232 : memref<32768xf32, #tpu.memory_space<vmem>>[vector<16xi32>], vector<16xf32>,
        %add3A_236 = arith.constant 29 : i32
        %add3A_237 = vector.broadcast %add3A_236 : i32 to vector<16xi32>
        %add3A_238 = arith.addi %mul3A_29, %add3A_237 : vector<16xi32>
        %gather3A_239 = tpu.vector_load_idx %arg5[%add3A_238] : memref<8192xf32, #tpu.memory_space<vmem>>[vector<16xi32>], vector<16xf32>,
        %add3A_240 = arith.constant 29 : i32
        %add3A_241 = vector.broadcast %add3A_240 : i32 to vector<16xi32>
        %add3A_242 = arith.addi %add3A_33, %add3A_241 : vector<16xi32>
        tpu.vector_store_idx %arg7[%add3A_242], %gather3A_239 : memref<32768xf32, #tpu.memory_space<vmem>>[vector<16xi32>], vector<16xf32>,
        %add3A_243 = arith.constant 30 : i32
        %add3A_244 = vector.broadcast %add3A_243 : i32 to vector<16xi32>
        %add3A_245 = arith.addi %mul3A_29, %add3A_244 : vector<16xi32>
        %gather3A_246 = tpu.vector_load_idx %arg5[%add3A_245] : memref<8192xf32, #tpu.memory_space<vmem>>[vector<16xi32>], vector<16xf32>,
        %add3A_247 = arith.constant 30 : i32
        %add3A_248 = vector.broadcast %add3A_247 : i32 to vector<16xi32>
        %add3A_249 = arith.addi %add3A_33, %add3A_248 : vector<16xi32>
        tpu.vector_store_idx %arg7[%add3A_249], %gather3A_246 : memref<32768xf32, #tpu.memory_space<vmem>>[vector<16xi32>], vector<16xf32>,
        %add3A_250 = arith.constant 31 : i32
        %add3A_251 = vector.broadcast %add3A_250 : i32 to vector<16xi32>
        %add3A_252 = arith.addi %mul3A_29, %add3A_251 : vector<16xi32>
        %gather3A_253 = tpu.vector_load_idx %arg5[%add3A_252] : memref<8192xf32, #tpu.memory_space<vmem>>[vector<16xi32>], vector<16xf32>,
        %add3A_254 = arith.constant 31 : i32
        %add3A_255 = vector.broadcast %add3A_254 : i32 to vector<16xi32>
        %add3A_256 = arith.addi %add3A_33, %add3A_255 : vector<16xi32>
        tpu.vector_store_idx %arg7[%add3A_256], %gather3A_253 : memref<32768xf32, #tpu.memory_space<vmem>>[vector<16xi32>], vector<16xf32>,
        %add3A_257 = arith.constant 32 : i32
        %add3A_258 = vector.broadcast %add3A_257 : i32 to vector<16xi32>
        %add3A_259 = arith.addi %mul3A_29, %add3A_258 : vector<16xi32>
        %gather3A_260 = tpu.vector_load_idx %arg5[%add3A_259] : memref<8192xf32, #tpu.memory_space<vmem>>[vector<16xi32>], vector<16xf32>,
        %add3A_261 = arith.constant 32 : i32
        %add3A_262 = vector.broadcast %add3A_261 : i32 to vector<16xi32>
        %add3A_263 = arith.addi %add3A_33, %add3A_262 : vector<16xi32>
        tpu.vector_store_idx %arg7[%add3A_263], %gather3A_260 : memref<32768xf32, #tpu.memory_space<vmem>>[vector<16xi32>], vector<16xf32>,
        %add3A_264 = arith.constant 33 : i32
        %add3A_265 = vector.broadcast %add3A_264 : i32 to vector<16xi32>
        %add3A_266 = arith.addi %mul3A_29, %add3A_265 : vector<16xi32>
        %gather3A_267 = tpu.vector_load_idx %arg5[%add3A_266] : memref<8192xf32, #tpu.memory_space<vmem>>[vector<16xi32>], vector<16xf32>,
        %add3A_268 = arith.constant 33 : i32
        %add3A_269 = vector.broadcast %add3A_268 : i32 to vector<16xi32>
        %add3A_270 = arith.addi %add3A_33, %add3A_269 : vector<16xi32>
        tpu.vector_store_idx %arg7[%add3A_270], %gather3A_267 : memref<32768xf32, #tpu.memory_space<vmem>>[vector<16xi32>], vector<16xf32>,
        %add3A_271 = arith.constant 34 : i32
        %add3A_272 = vector.broadcast %add3A_271 : i32 to vector<16xi32>
        %add3A_273 = arith.addi %mul3A_29, %add3A_272 : vector<16xi32>
        %gather3A_274 = tpu.vector_load_idx %arg5[%add3A_273] : memref<8192xf32, #tpu.memory_space<vmem>>[vector<16xi32>], vector<16xf32>,
        %add3A_275 = arith.constant 34 : i32
        %add3A_276 = vector.broadcast %add3A_275 : i32 to vector<16xi32>
        %add3A_277 = arith.addi %add3A_33, %add3A_276 : vector<16xi32>
        tpu.vector_store_idx %arg7[%add3A_277], %gather3A_274 : memref<32768xf32, #tpu.memory_space<vmem>>[vector<16xi32>], vector<16xf32>,
        %add3A_278 = arith.constant 35 : i32
        %add3A_279 = vector.broadcast %add3A_278 : i32 to vector<16xi32>
        %add3A_280 = arith.addi %mul3A_29, %add3A_279 : vector<16xi32>
        %gather3A_281 = tpu.vector_load_idx %arg5[%add3A_280] : memref<8192xf32, #tpu.memory_space<vmem>>[vector<16xi32>], vector<16xf32>,
        %add3A_282 = arith.constant 35 : i32
        %add3A_283 = vector.broadcast %add3A_282 : i32 to vector<16xi32>
        %add3A_284 = arith.addi %add3A_33, %add3A_283 : vector<16xi32>
        tpu.vector_store_idx %arg7[%add3A_284], %gather3A_281 : memref<32768xf32, #tpu.memory_space<vmem>>[vector<16xi32>], vector<16xf32>,
        %add3A_285 = arith.constant 36 : i32
        %add3A_286 = vector.broadcast %add3A_285 : i32 to vector<16xi32>
        %add3A_287 = arith.addi %mul3A_29, %add3A_286 : vector<16xi32>
        %gather3A_288 = tpu.vector_load_idx %arg5[%add3A_287] : memref<8192xf32, #tpu.memory_space<vmem>>[vector<16xi32>], vector<16xf32>,
        %add3A_289 = arith.constant 36 : i32
        %add3A_290 = vector.broadcast %add3A_289 : i32 to vector<16xi32>
        %add3A_291 = arith.addi %add3A_33, %add3A_290 : vector<16xi32>
        tpu.vector_store_idx %arg7[%add3A_291], %gather3A_288 : memref<32768xf32, #tpu.memory_space<vmem>>[vector<16xi32>], vector<16xf32>,
        %add3A_292 = arith.constant 37 : i32
        %add3A_293 = vector.broadcast %add3A_292 : i32 to vector<16xi32>
        %add3A_294 = arith.addi %mul3A_29, %add3A_293 : vector<16xi32>
        %gather3A_295 = tpu.vector_load_idx %arg5[%add3A_294] : memref<8192xf32, #tpu.memory_space<vmem>>[vector<16xi32>], vector<16xf32>,
        %add3A_296 = arith.constant 37 : i32
        %add3A_297 = vector.broadcast %add3A_296 : i32 to vector<16xi32>
        %add3A_298 = arith.addi %add3A_33, %add3A_297 : vector<16xi32>
        tpu.vector_store_idx %arg7[%add3A_298], %gather3A_295 : memref<32768xf32, #tpu.memory_space<vmem>>[vector<16xi32>], vector<16xf32>,
        %add3A_299 = arith.constant 38 : i32
        %add3A_300 = vector.broadcast %add3A_299 : i32 to vector<16xi32>
        %add3A_301 = arith.addi %mul3A_29, %add3A_300 : vector<16xi32>
        %gather3A_302 = tpu.vector_load_idx %arg5[%add3A_301] : memref<8192xf32, #tpu.memory_space<vmem>>[vector<16xi32>], vector<16xf32>,
        %add3A_303 = arith.constant 38 : i32
        %add3A_304 = vector.broadcast %add3A_303 : i32 to vector<16xi32>
        %add3A_305 = arith.addi %add3A_33, %add3A_304 : vector<16xi32>
        tpu.vector_store_idx %arg7[%add3A_305], %gather3A_302 : memref<32768xf32, #tpu.memory_space<vmem>>[vector<16xi32>], vector<16xf32>,
        %add3A_306 = arith.constant 39 : i32
        %add3A_307 = vector.broadcast %add3A_306 : i32 to vector<16xi32>
        %add3A_308 = arith.addi %mul3A_29, %add3A_307 : vector<16xi32>
        %gather3A_309 = tpu.vector_load_idx %arg5[%add3A_308] : memref<8192xf32, #tpu.memory_space<vmem>>[vector<16xi32>], vector<16xf32>,
        %add3A_310 = arith.constant 39 : i32
        %add3A_311 = vector.broadcast %add3A_310 : i32 to vector<16xi32>
        %add3A_312 = arith.addi %add3A_33, %add3A_311 : vector<16xi32>
        tpu.vector_store_idx %arg7[%add3A_312], %gather3A_309 : memref<32768xf32, #tpu.memory_space<vmem>>[vector<16xi32>], vector<16xf32>,
        %add3A_313 = arith.constant 40 : i32
        %add3A_314 = vector.broadcast %add3A_313 : i32 to vector<16xi32>
        %add3A_315 = arith.addi %mul3A_29, %add3A_314 : vector<16xi32>
        %gather3A_316 = tpu.vector_load_idx %arg5[%add3A_315] : memref<8192xf32, #tpu.memory_space<vmem>>[vector<16xi32>], vector<16xf32>,
        %add3A_317 = arith.constant 40 : i32
        %add3A_318 = vector.broadcast %add3A_317 : i32 to vector<16xi32>
        %add3A_319 = arith.addi %add3A_33, %add3A_318 : vector<16xi32>
        tpu.vector_store_idx %arg7[%add3A_319], %gather3A_316 : memref<32768xf32, #tpu.memory_space<vmem>>[vector<16xi32>], vector<16xf32>,
        %add3A_320 = arith.constant 41 : i32
        %add3A_321 = vector.broadcast %add3A_320 : i32 to vector<16xi32>
        %add3A_322 = arith.addi %mul3A_29, %add3A_321 : vector<16xi32>
        %gather3A_323 = tpu.vector_load_idx %arg5[%add3A_322] : memref<8192xf32, #tpu.memory_space<vmem>>[vector<16xi32>], vector<16xf32>,
        %add3A_324 = arith.constant 41 : i32
        %add3A_325 = vector.broadcast %add3A_324 : i32 to vector<16xi32>
        %add3A_326 = arith.addi %add3A_33, %add3A_325 : vector<16xi32>
        tpu.vector_store_idx %arg7[%add3A_326], %gather3A_323 : memref<32768xf32, #tpu.memory_space<vmem>>[vector<16xi32>], vector<16xf32>,
        %add3A_327 = arith.constant 42 : i32
        %add3A_328 = vector.broadcast %add3A_327 : i32 to vector<16xi32>
        %add3A_329 = arith.addi %mul3A_29, %add3A_328 : vector<16xi32>
        %gather3A_330 = tpu.vector_load_idx %arg5[%add3A_329] : memref<8192xf32, #tpu.memory_space<vmem>>[vector<16xi32>], vector<16xf32>,
        %add3A_331 = arith.constant 42 : i32
        %add3A_332 = vector.broadcast %add3A_331 : i32 to vector<16xi32>
        %add3A_333 = arith.addi %add3A_33, %add3A_332 : vector<16xi32>
        tpu.vector_store_idx %arg7[%add3A_333], %gather3A_330 : memref<32768xf32, #tpu.memory_space<vmem>>[vector<16xi32>], vector<16xf32>,
        %add3A_334 = arith.constant 43 : i32
        %add3A_335 = vector.broadcast %add3A_334 : i32 to vector<16xi32>
        %add3A_336 = arith.addi %mul3A_29, %add3A_335 : vector<16xi32>
        %gather3A_337 = tpu.vector_load_idx %arg5[%add3A_336] : memref<8192xf32, #tpu.memory_space<vmem>>[vector<16xi32>], vector<16xf32>,
        %add3A_338 = arith.constant 43 : i32
        %add3A_339 = vector.broadcast %add3A_338 : i32 to vector<16xi32>
        %add3A_340 = arith.addi %add3A_33, %add3A_339 : vector<16xi32>
        tpu.vector_store_idx %arg7[%add3A_340], %gather3A_337 : memref<32768xf32, #tpu.memory_space<vmem>>[vector<16xi32>], vector<16xf32>,
        %add3A_341 = arith.constant 44 : i32
        %add3A_342 = vector.broadcast %add3A_341 : i32 to vector<16xi32>
        %add3A_343 = arith.addi %mul3A_29, %add3A_342 : vector<16xi32>
        %gather3A_344 = tpu.vector_load_idx %arg5[%add3A_343] : memref<8192xf32, #tpu.memory_space<vmem>>[vector<16xi32>], vector<16xf32>,
        %add3A_345 = arith.constant 44 : i32
        %add3A_346 = vector.broadcast %add3A_345 : i32 to vector<16xi32>
        %add3A_347 = arith.addi %add3A_33, %add3A_346 : vector<16xi32>
        tpu.vector_store_idx %arg7[%add3A_347], %gather3A_344 : memref<32768xf32, #tpu.memory_space<vmem>>[vector<16xi32>], vector<16xf32>,
        %add3A_348 = arith.constant 45 : i32
        %add3A_349 = vector.broadcast %add3A_348 : i32 to vector<16xi32>
        %add3A_350 = arith.addi %mul3A_29, %add3A_349 : vector<16xi32>
        %gather3A_351 = tpu.vector_load_idx %arg5[%add3A_350] : memref<8192xf32, #tpu.memory_space<vmem>>[vector<16xi32>], vector<16xf32>,
        %add3A_352 = arith.constant 45 : i32
        %add3A_353 = vector.broadcast %add3A_352 : i32 to vector<16xi32>
        %add3A_354 = arith.addi %add3A_33, %add3A_353 : vector<16xi32>
        tpu.vector_store_idx %arg7[%add3A_354], %gather3A_351 : memref<32768xf32, #tpu.memory_space<vmem>>[vector<16xi32>], vector<16xf32>,
        %add3A_355 = arith.constant 46 : i32
        %add3A_356 = vector.broadcast %add3A_355 : i32 to vector<16xi32>
        %add3A_357 = arith.addi %mul3A_29, %add3A_356 : vector<16xi32>
        %gather3A_358 = tpu.vector_load_idx %arg5[%add3A_357] : memref<8192xf32, #tpu.memory_space<vmem>>[vector<16xi32>], vector<16xf32>,
        %add3A_359 = arith.constant 46 : i32
        %add3A_360 = vector.broadcast %add3A_359 : i32 to vector<16xi32>
        %add3A_361 = arith.addi %add3A_33, %add3A_360 : vector<16xi32>
        tpu.vector_store_idx %arg7[%add3A_361], %gather3A_358 : memref<32768xf32, #tpu.memory_space<vmem>>[vector<16xi32>], vector<16xf32>,
        %add3A_362 = arith.constant 47 : i32
        %add3A_363 = vector.broadcast %add3A_362 : i32 to vector<16xi32>
        %add3A_364 = arith.addi %mul3A_29, %add3A_363 : vector<16xi32>
        %gather3A_365 = tpu.vector_load_idx %arg5[%add3A_364] : memref<8192xf32, #tpu.memory_space<vmem>>[vector<16xi32>], vector<16xf32>,
        %add3A_366 = arith.constant 47 : i32
        %add3A_367 = vector.broadcast %add3A_366 : i32 to vector<16xi32>
        %add3A_368 = arith.addi %add3A_33, %add3A_367 : vector<16xi32>
        tpu.vector_store_idx %arg7[%add3A_368], %gather3A_365 : memref<32768xf32, #tpu.memory_space<vmem>>[vector<16xi32>], vector<16xf32>,
        %add3A_369 = arith.constant 48 : i32
        %add3A_370 = vector.broadcast %add3A_369 : i32 to vector<16xi32>
        %add3A_371 = arith.addi %mul3A_29, %add3A_370 : vector<16xi32>
        %gather3A_372 = tpu.vector_load_idx %arg5[%add3A_371] : memref<8192xf32, #tpu.memory_space<vmem>>[vector<16xi32>], vector<16xf32>,
        %add3A_373 = arith.constant 48 : i32
        %add3A_374 = vector.broadcast %add3A_373 : i32 to vector<16xi32>
        %add3A_375 = arith.addi %add3A_33, %add3A_374 : vector<16xi32>
        tpu.vector_store_idx %arg7[%add3A_375], %gather3A_372 : memref<32768xf32, #tpu.memory_space<vmem>>[vector<16xi32>], vector<16xf32>,
        %add3A_376 = arith.constant 49 : i32
        %add3A_377 = vector.broadcast %add3A_376 : i32 to vector<16xi32>
        %add3A_378 = arith.addi %mul3A_29, %add3A_377 : vector<16xi32>
        %gather3A_379 = tpu.vector_load_idx %arg5[%add3A_378] : memref<8192xf32, #tpu.memory_space<vmem>>[vector<16xi32>], vector<16xf32>,
        %add3A_380 = arith.constant 49 : i32
        %add3A_381 = vector.broadcast %add3A_380 : i32 to vector<16xi32>
        %add3A_382 = arith.addi %add3A_33, %add3A_381 : vector<16xi32>
        tpu.vector_store_idx %arg7[%add3A_382], %gather3A_379 : memref<32768xf32, #tpu.memory_space<vmem>>[vector<16xi32>], vector<16xf32>,
        %add3A_383 = arith.constant 50 : i32
        %add3A_384 = vector.broadcast %add3A_383 : i32 to vector<16xi32>
        %add3A_385 = arith.addi %mul3A_29, %add3A_384 : vector<16xi32>
        %gather3A_386 = tpu.vector_load_idx %arg5[%add3A_385] : memref<8192xf32, #tpu.memory_space<vmem>>[vector<16xi32>], vector<16xf32>,
        %add3A_387 = arith.constant 50 : i32
        %add3A_388 = vector.broadcast %add3A_387 : i32 to vector<16xi32>
        %add3A_389 = arith.addi %add3A_33, %add3A_388 : vector<16xi32>
        tpu.vector_store_idx %arg7[%add3A_389], %gather3A_386 : memref<32768xf32, #tpu.memory_space<vmem>>[vector<16xi32>], vector<16xf32>,
        %add3A_390 = arith.constant 51 : i32
        %add3A_391 = vector.broadcast %add3A_390 : i32 to vector<16xi32>
        %add3A_392 = arith.addi %mul3A_29, %add3A_391 : vector<16xi32>
        %gather3A_393 = tpu.vector_load_idx %arg5[%add3A_392] : memref<8192xf32, #tpu.memory_space<vmem>>[vector<16xi32>], vector<16xf32>,
        %add3A_394 = arith.constant 51 : i32
        %add3A_395 = vector.broadcast %add3A_394 : i32 to vector<16xi32>
        %add3A_396 = arith.addi %add3A_33, %add3A_395 : vector<16xi32>
        tpu.vector_store_idx %arg7[%add3A_396], %gather3A_393 : memref<32768xf32, #tpu.memory_space<vmem>>[vector<16xi32>], vector<16xf32>,
        %add3A_397 = arith.constant 52 : i32
        %add3A_398 = vector.broadcast %add3A_397 : i32 to vector<16xi32>
        %add3A_399 = arith.addi %mul3A_29, %add3A_398 : vector<16xi32>
        %gather3A_400 = tpu.vector_load_idx %arg5[%add3A_399] : memref<8192xf32, #tpu.memory_space<vmem>>[vector<16xi32>], vector<16xf32>,
        %add3A_401 = arith.constant 52 : i32
        %add3A_402 = vector.broadcast %add3A_401 : i32 to vector<16xi32>
        %add3A_403 = arith.addi %add3A_33, %add3A_402 : vector<16xi32>
        tpu.vector_store_idx %arg7[%add3A_403], %gather3A_400 : memref<32768xf32, #tpu.memory_space<vmem>>[vector<16xi32>], vector<16xf32>,
        %add3A_404 = arith.constant 53 : i32
        %add3A_405 = vector.broadcast %add3A_404 : i32 to vector<16xi32>
        %add3A_406 = arith.addi %mul3A_29, %add3A_405 : vector<16xi32>
        %gather3A_407 = tpu.vector_load_idx %arg5[%add3A_406] : memref<8192xf32, #tpu.memory_space<vmem>>[vector<16xi32>], vector<16xf32>,
        %add3A_408 = arith.constant 53 : i32
        %add3A_409 = vector.broadcast %add3A_408 : i32 to vector<16xi32>
        %add3A_410 = arith.addi %add3A_33, %add3A_409 : vector<16xi32>
        tpu.vector_store_idx %arg7[%add3A_410], %gather3A_407 : memref<32768xf32, #tpu.memory_space<vmem>>[vector<16xi32>], vector<16xf32>,
        %add3A_411 = arith.constant 54 : i32
        %add3A_412 = vector.broadcast %add3A_411 : i32 to vector<16xi32>
        %add3A_413 = arith.addi %mul3A_29, %add3A_412 : vector<16xi32>
        %gather3A_414 = tpu.vector_load_idx %arg5[%add3A_413] : memref<8192xf32, #tpu.memory_space<vmem>>[vector<16xi32>], vector<16xf32>,
        %add3A_415 = arith.constant 54 : i32
        %add3A_416 = vector.broadcast %add3A_415 : i32 to vector<16xi32>
        %add3A_417 = arith.addi %add3A_33, %add3A_416 : vector<16xi32>
        tpu.vector_store_idx %arg7[%add3A_417], %gather3A_414 : memref<32768xf32, #tpu.memory_space<vmem>>[vector<16xi32>], vector<16xf32>,
        %add3A_418 = arith.constant 55 : i32
        %add3A_419 = vector.broadcast %add3A_418 : i32 to vector<16xi32>
        %add3A_420 = arith.addi %mul3A_29, %add3A_419 : vector<16xi32>
        %gather3A_421 = tpu.vector_load_idx %arg5[%add3A_420] : memref<8192xf32, #tpu.memory_space<vmem>>[vector<16xi32>], vector<16xf32>,
        %add3A_422 = arith.constant 55 : i32
        %add3A_423 = vector.broadcast %add3A_422 : i32 to vector<16xi32>
        %add3A_424 = arith.addi %add3A_33, %add3A_423 : vector<16xi32>
        tpu.vector_store_idx %arg7[%add3A_424], %gather3A_421 : memref<32768xf32, #tpu.memory_space<vmem>>[vector<16xi32>], vector<16xf32>,
        %add3A_425 = arith.constant 56 : i32
        %add3A_426 = vector.broadcast %add3A_425 : i32 to vector<16xi32>
        %add3A_427 = arith.addi %mul3A_29, %add3A_426 : vector<16xi32>
        %gather3A_428 = tpu.vector_load_idx %arg5[%add3A_427] : memref<8192xf32, #tpu.memory_space<vmem>>[vector<16xi32>], vector<16xf32>,
        %add3A_429 = arith.constant 56 : i32
        %add3A_430 = vector.broadcast %add3A_429 : i32 to vector<16xi32>
        %add3A_431 = arith.addi %add3A_33, %add3A_430 : vector<16xi32>
        tpu.vector_store_idx %arg7[%add3A_431], %gather3A_428 : memref<32768xf32, #tpu.memory_space<vmem>>[vector<16xi32>], vector<16xf32>,
        %add3A_432 = arith.constant 57 : i32
        %add3A_433 = vector.broadcast %add3A_432 : i32 to vector<16xi32>
        %add3A_434 = arith.addi %mul3A_29, %add3A_433 : vector<16xi32>
        %gather3A_435 = tpu.vector_load_idx %arg5[%add3A_434] : memref<8192xf32, #tpu.memory_space<vmem>>[vector<16xi32>], vector<16xf32>,
        %add3A_436 = arith.constant 57 : i32
        %add3A_437 = vector.broadcast %add3A_436 : i32 to vector<16xi32>
        %add3A_438 = arith.addi %add3A_33, %add3A_437 : vector<16xi32>
        tpu.vector_store_idx %arg7[%add3A_438], %gather3A_435 : memref<32768xf32, #tpu.memory_space<vmem>>[vector<16xi32>], vector<16xf32>,
        %add3A_439 = arith.constant 58 : i32
        %add3A_440 = vector.broadcast %add3A_439 : i32 to vector<16xi32>
        %add3A_441 = arith.addi %mul3A_29, %add3A_440 : vector<16xi32>
        %gather3A_442 = tpu.vector_load_idx %arg5[%add3A_441] : memref<8192xf32, #tpu.memory_space<vmem>>[vector<16xi32>], vector<16xf32>,
        %add3A_443 = arith.constant 58 : i32
        %add3A_444 = vector.broadcast %add3A_443 : i32 to vector<16xi32>
        %add3A_445 = arith.addi %add3A_33, %add3A_444 : vector<16xi32>
        tpu.vector_store_idx %arg7[%add3A_445], %gather3A_442 : memref<32768xf32, #tpu.memory_space<vmem>>[vector<16xi32>], vector<16xf32>,
        %add3A_446 = arith.constant 59 : i32
        %add3A_447 = vector.broadcast %add3A_446 : i32 to vector<16xi32>
        %add3A_448 = arith.addi %mul3A_29, %add3A_447 : vector<16xi32>
        %gather3A_449 = tpu.vector_load_idx %arg5[%add3A_448] : memref<8192xf32, #tpu.memory_space<vmem>>[vector<16xi32>], vector<16xf32>,
        %add3A_450 = arith.constant 59 : i32
        %add3A_451 = vector.broadcast %add3A_450 : i32 to vector<16xi32>
        %add3A_452 = arith.addi %add3A_33, %add3A_451 : vector<16xi32>
        tpu.vector_store_idx %arg7[%add3A_452], %gather3A_449 : memref<32768xf32, #tpu.memory_space<vmem>>[vector<16xi32>], vector<16xf32>,
        %add3A_453 = arith.constant 60 : i32
        %add3A_454 = vector.broadcast %add3A_453 : i32 to vector<16xi32>
        %add3A_455 = arith.addi %mul3A_29, %add3A_454 : vector<16xi32>
        %gather3A_456 = tpu.vector_load_idx %arg5[%add3A_455] : memref<8192xf32, #tpu.memory_space<vmem>>[vector<16xi32>], vector<16xf32>,
        %add3A_457 = arith.constant 60 : i32
        %add3A_458 = vector.broadcast %add3A_457 : i32 to vector<16xi32>
        %add3A_459 = arith.addi %add3A_33, %add3A_458 : vector<16xi32>
        tpu.vector_store_idx %arg7[%add3A_459], %gather3A_456 : memref<32768xf32, #tpu.memory_space<vmem>>[vector<16xi32>], vector<16xf32>,
        %add3A_460 = arith.constant 61 : i32
        %add3A_461 = vector.broadcast %add3A_460 : i32 to vector<16xi32>
        %add3A_462 = arith.addi %mul3A_29, %add3A_461 : vector<16xi32>
        %gather3A_463 = tpu.vector_load_idx %arg5[%add3A_462] : memref<8192xf32, #tpu.memory_space<vmem>>[vector<16xi32>], vector<16xf32>,
        %add3A_464 = arith.constant 61 : i32
        %add3A_465 = vector.broadcast %add3A_464 : i32 to vector<16xi32>
        %add3A_466 = arith.addi %add3A_33, %add3A_465 : vector<16xi32>
        tpu.vector_store_idx %arg7[%add3A_466], %gather3A_463 : memref<32768xf32, #tpu.memory_space<vmem>>[vector<16xi32>], vector<16xf32>,
        %add3A_467 = arith.constant 62 : i32
        %add3A_468 = vector.broadcast %add3A_467 : i32 to vector<16xi32>
        %add3A_469 = arith.addi %mul3A_29, %add3A_468 : vector<16xi32>
        %gather3A_470 = tpu.vector_load_idx %arg5[%add3A_469] : memref<8192xf32, #tpu.memory_space<vmem>>[vector<16xi32>], vector<16xf32>,
        %add3A_471 = arith.constant 62 : i32
        %add3A_472 = vector.broadcast %add3A_471 : i32 to vector<16xi32>
        %add3A_473 = arith.addi %add3A_33, %add3A_472 : vector<16xi32>
        tpu.vector_store_idx %arg7[%add3A_473], %gather3A_470 : memref<32768xf32, #tpu.memory_space<vmem>>[vector<16xi32>], vector<16xf32>,
        %add3A_474 = arith.constant 63 : i32
        %add3A_475 = vector.broadcast %add3A_474 : i32 to vector<16xi32>
        %add3A_476 = arith.addi %mul3A_29, %add3A_475 : vector<16xi32>
        %gather3A_477 = tpu.vector_load_idx %arg5[%add3A_476] : memref<8192xf32, #tpu.memory_space<vmem>>[vector<16xi32>], vector<16xf32>,
        %add3A_478 = arith.constant 63 : i32
        %add3A_479 = vector.broadcast %add3A_478 : i32 to vector<16xi32>
        %add3A_480 = arith.addi %add3A_33, %add3A_479 : vector<16xi32>
        tpu.vector_store_idx %arg7[%add3A_480], %gather3A_477 : memref<32768xf32, #tpu.memory_space<vmem>>[vector<16xi32>], vector<16xf32>,
      }
      %scan3A_20 = arith.constant 32 : i32
      %mul3A_21 = arith.constant 64 : i32
      %mul3A_22 = arith.muli %add3A_14, %mul3A_21 : i32
      "tpu.region"() ({
        %run_scoped3A = tpu.sem_alloc : memref<!tpu.dma_semaphore, #tpu.memory_space<semaphore_mem>>
        %dma_start3A = tpu.memref_slice %arg4[%mul3A_22] : memref<209715200xf32, #tpu.memory_space<hbm>> -> memref<32768xf32, #tpu.memory_space<hbm>>
        %dma_start3A_23 = tpu.memref_slice %arg4[%mul3A_22] : memref<209715200xf32, #tpu.memory_space<hbm>> -> memref<32768xf32, #tpu.memory_space<hbm>>
        tpu.enqueue_dma source(%arg7 : memref<32768xf32, #tpu.memory_space<vmem>>) target(%dma_start3A_23 : memref<32768xf32, #tpu.memory_space<hbm>>) target_semaphore(%run_scoped3A : memref<!tpu.dma_semaphore, #tpu.memory_space<semaphore_mem>>)
        %dma_wait3A = tpu.memref_slice %arg4[%mul3A_22] : memref<209715200xf32, #tpu.memory_space<hbm>> -> memref<32768xf32, #tpu.memory_space<hbm>>
        %dma_wait3A_24 = tpu.memref_slice %arg4[%mul3A_22] : memref<209715200xf32, #tpu.memory_space<hbm>> -> memref<32768xf32, #tpu.memory_space<hbm>>
        tpu.wait_dma2 semaphore(%run_scoped3A : memref<!tpu.dma_semaphore, #tpu.memory_space<semaphore_mem>>) src(%arg7 : memref<32768xf32, #tpu.memory_space<vmem>>) dst(%dma_wait3A_24 : memref<32768xf32, #tpu.memory_space<hbm>>)
        tpu.yield
      }) : () -> ()
    }
    %scan3A_10 = arith.constant 200 : i32
    return
  }
}

</mosaic_0001>

<sc_bundles>
// kernel: kernel.3.cloned.1.call-start
scs
__scs_entry_jumppad:
0x0: {  	(pc) =	sbr.rel $0x88, $3  }
0x1: {  	(tag) =	ssettag $0x0;
	lr =	simm.s32 $0x1  }
0x2: {  	[smem:$0x3F9F] =	sst lr;
	_ =	strace $0xD0000000  }
0x3: {  	_ = 	snop  }
0x4: {  	_ = 	snop  }
0x5: {  	_ = 	snop  }
0x6: {  	_ = 	snop  }
0x7: {  	_ = 	snop  }
__scs_overlays_trampoline_lowered:
0x8: {  	[smem:$0x3FAE] =	sst s0  }
0x9: {  	[smem:$0x3FAF] =	sst s1  }
0xa: {  	[smem:$0x3FB0] =	sst s2  }
0xb: {  	[smem:$0x3FB1] =	sst s3  }
0xc: {  	[smem:$0x3FB2] =	sst s4  }
0xd: {  	[smem:$0x3FB3] =	sst s5  }
0xe: {  	[smem:$0x3FB4] =	sst s6  }
0xf: {  	[smem:$0x3FB5] =	sst s7  }
0x10: {  	[smem:$0x3FB6] =	sst s8  }
0x11: {  	[smem:$0x3FB7] =	sst s9;
	s0 =	simm.s32 @!p0 $0x0  }
0x12: {  	s1 =	sld [smem:$0x3F9D];
	s0 =	simm.s32 @p0 $0x1  }
0x13: {  	[smem:$0x3FB8] =	sst s0;
	s0 =	simm.s32 @!p1 $0x0  }
0x14: {  	s2 =	sld [smem:$0x3F9C];
	s0 =	simm.s32 @p1 $0x1  }
0x15: {  	[smem:$0x3FB9] =	sst s0;
	s0 =	simm.s32 @!p2 $0x0  }
0x16: {  	s3 =	sld [smem:$0x3FDB];
	s0 =	simm.s32 @p2 $0x1  }
0x17: {  	s4 =	simm.s32 $0x1BF5;
	[smem:$0x3FBB] =	sst s0  }
0x18: {  	s0 =	sld [smem:$0x3F9E];
	_ =	swait.ge [sflag:s4], $0x0  }
0x19: {  	s7 =	sld [smem:$0x3F9F]  }
0x1a: {  	s8 =	sadd.s32 $0xFFFFE003, lr  }
0x1b: {  	s9 =	sadd.s32 $0xFFFFFEF7, lr;
	s5 =	simm.s32 $0xFFFFFFFF;
	p2 =	slt.u32 s8, $0xFFFFF086  }
0x1c: {  	p1 =	slt.u32 s9, $0xF7A;
	s5 =	simm.s32 @!p2 $0x0  }
0x1d: {  	s5 =	simm.s32 @p1 $0x1;
	p0 =	seq.s32 s7, s2  }
0x1e: {  	s7 =	smul.u32 @!p0 $0xF7A, s2;
	p2 =	seq.s32 @!p0 s5, $0x0  }
0x1f: {  	s9 =	smul.u32 $0xF7A, s1;
	s8 =	simm.s32 @!p0 $0x1BF5;
	p2 =	por !p2, p0  }
0x20: {  	[sflag:s8] =	ssyncset.s32 @!p0 $0xFFFFF086;
	s6 =	sadd.s32 @!p0 s3, s7;
	s7 =	simm.s32 @!p0 $0x108  }
0x21: {  	s3 =	sadd.s32 s3, s9;
	s6 =	sadd.s32 @!p0 $0x88, s6;
	s7 =	simm.s32 @p2 $0x1082  }
0x22: {  	[simem:s7], [sflag:s8] =	dma.local @!p0 [hbm:s6], $0xF7A  }
0x23: {  	s9 =	sor.u32 $0xD0000000, s2;
	s6 =	simm.s32 $0x108;
	_ =	swait.ge @!p0 [sflag:s8], $0x0  }
0x24: {  	s3 =	sadd.s32 $0x88, s3;
	s6 =	simm.s32 @!p1 $0x1082;
	[sflag:s4] =	ssyncset.s32 $0xFFFFF086  }
0x25: {  	[simem:s6], [sflag:s4] =	dma.local [hbm:s3], $0xF7A  }
0x26: {  	[smem:$0x3F9F] =	sst s1;
	(tag) =	ssettag s2;
	_ =	strace s9  }
0x27: {  	s1 =	sld [smem:$0x3FAF]  }
0x28: {  	s2 =	sld [smem:$0x3FB0]  }
0x29: {  	s4 =	sld [smem:$0x3FB2]  }
0x2a: {  	p0 =	seq.s32 s5, $0x0;
	s5 =	sld [smem:$0x3FB3]  }
0x2b: {  	s6 =	sld [smem:$0x3FB4]  }
0x2c: {  	s7 =	sld [smem:$0x3FB5]  }
0x2d: {  	s3 =	simm.s32 $0x108;
	s8 =	sld [smem:$0x3FB6]  }
0x2e: {  	s3 =	simm.s32 @!p0 $0x1082;
	s9 =	sld [smem:$0x3FB7]  }
0x2f: {  	lr =	sadd.s32 s0, s3;
	s0 =	sld [smem:$0x3FAE]  }
0x30: {  	s3 =	sld [smem:$0x3FB1]  }
0x31: {  	[smem:$0x3FBA] =	sst s10  }
0x32: {  	s10 =	sld [smem:$0x3FB8];
	_ =	sdelay $0x3  }
0x33: {  	p0 =	seq.s32 s10, $0x1;
	s10 =	sld [smem:$0x3FBA];
	_ =	sdelay $0x3  }
0x34: {  	[smem:$0x3FBA] =	sst s10  }
0x35: {  	s10 =	sld [smem:$0x3FB9];
	_ =	sdelay $0x3  }
0x36: {  	p1 =	seq.s32 s10, $0x1;
	s10 =	sld [smem:$0x3FBA];
	_ =	sdelay $0x3  }
0x37: {  	[smem:$0x3FBA] =	sst s10  }
0x38: {  	s10 =	sld [smem:$0x3FBB]  }
0x39: {  	_ = 	snop;
	(pc) =	sbr.ind lr, $3  }
0x3a: {  	_ = 	snop  }
0x3b: {  	_ = 	snop  }
0x3c: {  	p2 =	seq.s32 s10, $0x1;
	s10 =	sld [smem:$0x3FBA]  }
0x3d: {  	_ =	shalt  }
0x3e: {  	_ =	shalt  }
0x3f: {  	_ =	shalt  }
0x40: {  	_ =	shalt  }
0x41: {  	_ =	shalt  }
0x42: {  	_ =	shalt  }
0x43: {  	_ =	shalt  }
0x44: {  	_ =	shalt  }
0x45: {  	_ =	shalt  }
0x46: {  	_ =	shalt  }
0x47: {  	_ =	shalt  }
0x48: {  	_ =	shalt  }
0x49: {  	_ =	shalt  }
0x4a: {  	_ =	shalt  }
0x4b: {  	_ =	shalt  }
0x4c: {  	_ =	shalt  }
0x4d: {  	_ =	shalt  }
0x4e: {  	_ =	shalt  }
0x4f: {  	_ =	shalt  }
0x50: {  	_ =	shalt  }
0x51: {  	_ =	shalt  }
0x52: {  	_ =	shalt  }
0x53: {  	_ =	shalt  }
0x54: {  	_ =	shalt  }
0x55: {  	_ =	shalt  }
0x56: {  	_ =	shalt  }
0x57: {  	_ =	shalt  }
0x58: {  	_ =	shalt  }
0x59: {  	_ =	shalt  }
0x5a: {  	_ =	shalt  }
0x5b: {  	_ =	shalt  }
0x5c: {  	_ =	shalt  }
0x5d: {  	_ =	shalt  }
0x5e: {  	_ =	shalt  }
0x5f: {  	_ =	shalt  }
0x60: {  	_ =	shalt  }
0x61: {  	_ =	shalt  }
0x62: {  	_ =	shalt  }
0x63: {  	_ =	shalt  }
0x64: {  	_ =	shalt  }
0x65: {  	_ =	shalt  }
0x66: {  	_ =	shalt  }
0x67: {  	_ =	shalt  }
0x68: {  	_ =	shalt  }
0x69: {  	_ =	shalt  }
0x6a: {  	_ =	shalt  }
0x6b: {  	_ =	shalt  }
0x6c: {  	_ =	shalt  }
0x6d: {  	_ =	shalt  }
0x6e: {  	_ =	shalt  }
0x6f: {  	_ =	shalt  }
0x70: {  	_ =	shalt  }
0x71: {  	_ =	shalt  }
0x72: {  	_ =	shalt  }
0x73: {  	_ =	shalt  }
0x74: {  	_ =	shalt  }
0x75: {  	_ =	shalt  }
0x76: {  	_ =	shalt  }
0x77: {  	_ =	shalt  }
0x78: {  	_ =	shalt  }
0x79: {  	_ =	shalt  }
0x7a: {  	_ =	shalt  }
0x7b: {  	_ =	shalt  }
0x7c: {  	_ =	shalt  }
0x7d: {  	_ =	shalt  }
0x7e: {  	_ =	shalt  }
0x7f: {  	_ =	shalt  }
0x80: {  	_ =	shalt  }
0x81: {  	_ =	shalt  }
0x82: {  	_ =	shalt  }
0x83: {  	_ =	shalt  }
0x84: {  	_ =	shalt  }
0x85: {  	_ =	shalt  }
0x86: {  	_ =	shalt  }
0x87: {  	_ =	shalt  }
.Lfunc_end0:
.L_simem_size_0:
called_computation.1_lowered:
.L_overlay_start_0:
0x88: {  	s2 =	sld [smem:$0x3FD9]  }
0x89: {  	s3 =	sld [smem:$0x3FFE];
	_ =	sdelay $0x1  }
0x8a: {  	s1 =	srdreg.scid  }
0x8b: {  	s0 =	sand.u32 $0x1, s1  }
0x8c: {  	s17 =	sshll.u32 s0, $0xA;
	s2 =	sadd.s32 s3, s2  }
0x8d: {  	s2 =	sadd.s32 s2, s17  }
0x8e: {  	[smem:$0x3FC6] =	sst s2  }
0x8f: {  	_ = 	snop  }
0x90: {  	s2 =	sld [smem:$0x3FD0];
	(tm) =	ssettm $0x1  }
0x91: {  	s18 =	sld [smem:$0x3FFB];
	_ =	sdelay $0x3  }
0x92: {  	_ =	strace s18  }
0x93: {  	s3 =	sld [smem:$0x3FFC];
	_ =	sdelay $0x3  }
0x94: {  	_ =	strace s3  }
0x95: {  	s3 =	sld [smem:$0x3FFD];
	_ =	sdelay $0x3  }
0x96: {  	_ =	strace s3  }
0x97: {  	_ =	strace $0x8FFFFFFF  }
0x98: {  	s19 =	sld [smem:$0x3FDB];
	_ =	sdelay $0x1  }
0x99: {  	s4 =	simm.s32 $_scs_section_size  }
0x9a: {  	s5 =	simm.s32 $_size__tile_overlayer_lowered;
	s6 =	simm.s32 $_tile_overlayer_lowered  }
0x9b: {  	s22 =	simm.s32 $0x1BFF;
	s21 =	sshll.u32 s6, $0x1;
	s3 =	sadd.s32 s4, s19  }
0x9c: {  	s7 =	simm.s32 $0x0;
	s20 =	sshll.u32 s5, $0x1;
	s5 =	sadd.s32 s21, s3  }
0x9d: {  	[timem:s7], [sflag:s22] =	dma.local [hbm:s5], s20  }
0x9e: {  	_ =	swait.ge [sflag:s22], s20  }
0x9f: {  	s4 =	ssub.s32 $0x0, s20;
	[sflag:s22] =	ssyncset.done $0x0  }
0xa0: {  	[sflag:s22] =	ssyncadd.s32 s4;
	_ =	sdelay $0x1  }
0xa1: {  	s23 =	simm.s32 $0x1B8B  }
0xa2: {  	_ =	swait.ge [sflag:s23], $0x1  }
0xa3: {  	[sflag:s23] =	ssyncset.done $0x0  }
0xa4: {  	s25 =	simm.s32 $0x1B8E;
	s24 =	sld [smem:$0x3FFE];
	[sflag:s23] =	ssyncadd.s32 $0xFFFFFFFF  }
0xa5: {  	s26 =	simm.s32 $execute0_lowered;
	[smem:$0x3FD2] =	sst s25  }
0xa6: {  	s5 =	sshll.u32 s26, $0x1;
	_ =	strace $0x80000046;
	[dreg:$0x1] =	wrdreg $0xFFFFFFFF  }
0xa7: {  	s28 =	simm.s32 $_size_execute0_lowered;
	s3 =	sadd.s32 s3, s5;
	[dreg:$0x0] =	wrdreg $0x0  }
0xa8: {  	s5 =	sshll.u32 s28, $0x1;
	[dreg:$0x2] =	wrdreg s3  }
0xa9: {  	[dreg:$0x3] =	wrdreg s5  }
0xaa: {  	[dreg:$0x4] =	wrdreg $0xC0  }
0xab: {  	_ =	task [dreg:s7], $0x5FFFF  }
0xac: {  	[dreg:$0x1] =	wrdreg $0xFFFFFFFF  }
0xad: {  	[dreg:$0x0] =	wrdreg $0x60  }
0xae: {  	[dreg:$0x2] =	wrdreg s24  }
0xaf: {  	[dreg:$0x3] =	wrdreg s2  }
0xb0: {  	[dreg:$0x4] =	wrdreg $0x9  }
0xb1: {  	_ =	task.clear_ibuf [dreg:s7], $0x5FFFF;
	_ =	strace $0x90000046  }
0xb2: {  	s29 =	simm.s32 $0x9;
	_ =	strace $0x80000048  }
0xb3: {  	_ =	swait.ge [sflag:s29], $0x1  }
0xb4: {  	[sflag:s29] =	ssyncadd.s32 $0xFFFFFFFF  }
0xb5: {  	_ =	strace $0x90000048  }
0xb6: {  	_ =	sfence  }
0xb7: {  	s30 =	sld [smem:$0x0];
	_ =	sdelay $0x2  }
0xb8: {  	s31 =	sshll.u32 s1, $0xD;
	s1 =	sshrl.u32 s1, $0x2  }
0xb9: {  	s3 =	sand.u32 $0x4000, s31;
	s1 =	sadd.s32 s1, s30  }
0xba: {  	s0 =	sor.u32 s3, s0;
	s1 =	sshll.u32 s1, $0x11  }
0xbb: {  	s0 =	sor.u32 s1, s0  }
0xbc: {  	s0 =	sadd.s32 $0x8F2B, s0  }
0xbd: {  	[sflag:s0] =	ssyncadd.remote.s32 $0x1  }
0xbe: {  	_ =	sfence.sel $0xFFFF  }
0xbf: {  	[dreg:$0x0] =	wrdreg $0xFFFFFFFF;
	(pc) =	sbr.abs _section_cstart, $3  }
0xc0: {  	[dreg:$0x1] =	wrdreg $0xFFFFFFFF  }
0xc1: {  	_ =	task.clear_ibuf [dreg:s7], $0x2FFFF;
	_ =	strace $0x9FFFFFFF  }
0xc2: {  	(tm) =	ssettm $0x7FFFFFFF  }
0xc3: {  	_ =	shalt  }
tec
execute0_lowered:
.L_overlay_start_1:
0x0: {  	(tag) =	ssettag $0x1  }
0x1: {  	v0 =	vlaneseq.u32  }
0x2: {  	v1 =	vand.u32 $0x1, v0  }
0x3: {  	v0 =	vmul.u32 $0x40, v0;
	v1 =	vmul.u32 $0x40, v1;
	_ =	sdelay $0x1  }
0x4: {  	v4 =	vor.u32 $0xFFFFFF80, v1;
	v1 =	vor.u32 $0x1, v0  }
0x5: {  	[tilespmem:$0x1FC30] =	vst v1;
	v1 =	vor.u32 $0x2, v0  }
0x6: {  	[tilespmem:$0x1FC40] =	vst v1;
	v1 =	vor.u32 $0x3, v0  }
0x7: {  	[tilespmem:$0x1FC50] =	vst v1;
	v1 =	vor.u32 $0x4, v0  }
0x8: {  	[tilespmem:$0x1FC60] =	vst v1;
	v1 =	vor.u32 $0x5, v0  }
0x9: {  	[tilespmem:$0x1FC70] =	vst v1;
	v1 =	vor.u32 $0x6, v0  }
0xa: {  	[tilespmem:$0x1FC80] =	vst v1;
	v1 =	vor.u32 $0x7, v0  }
0xb: {  	[tilespmem:$0x1FC90] =	vst v1;
	v1 =	vor.u32 $0x8, v0  }
0xc: {  	[tilespmem:$0x1FCA0] =	vst v1;
	v1 =	vor.u32 $0x9, v0  }
0xd: {  	[tilespmem:$0x1FCB0] =	vst v1;
	v1 =	vor.u32 $0xA, v0  }
0xe: {  	[tilespmem:$0x1FCC0] =	vst v1;
	v1 =	vor.u32 $0xB, v0  }
0xf: {  	[tilespmem:$0x1FCD0] =	vst v1;
	v1 =	vor.u32 $0xC, v0  }
0x10: {  	[tilespmem:$0x1FCE0] =	vst v1;
	v1 =	vor.u32 $0xD, v0  }
0x11: {  	[tilespmem:$0x1FCF0] =	vst v1;
	v1 =	vor.u32 $0xE, v0  }
0x12: {  	[tilespmem:$0x1FD00] =	vst v1;
	v1 =	vor.u32 $0xF, v0  }
0x13: {  	[tilespmem:$0x1FD10] =	vst v1;
	v1 =	vor.u32 $0x10, v0  }
0x14: {  	[tilespmem:$0x1FD20] =	vst v1;
	v1 =	vor.u32 $0x11, v0  }
0x15: {  	[tilespmem:$0x1FD30] =	vst v1;
	v1 =	vor.u32 $0x12, v0  }
0x16: {  	[tilespmem:$0x1FD40] =	vst v1;
	v1 =	vor.u32 $0x13, v0  }
0x17: {  	[tilespmem:$0x1FD50] =	vst v1;
	v1 =	vor.u32 $0x14, v0  }
0x18: {  	[tilespmem:$0x1FD60] =	vst v1;
	v1 =	vor.u32 $0x15, v0  }
0x19: {  	[tilespmem:$0x1FD70] =	vst v1;
	v1 =	vor.u32 $0x16, v0  }
0x1a: {  	[tilespmem:$0x1FD80] =	vst v1;
	v1 =	vor.u32 $0x17, v0  }
0x1b: {  	[tilespmem:$0x1FD90] =	vst v1;
	v1 =	vor.u32 $0x18, v0  }
0x1c: {  	[tilespmem:$0x1FDA0] =	vst v1;
	v1 =	vor.u32 $0x19, v0  }
0x1d: {  	[tilespmem:$0x1FDB0] =	vst v1;
	v1 =	vor.u32 $0x1A, v0  }
0x1e: {  	[tilespmem:$0x1FDC0] =	vst v1;
	v1 =	vor.u32 $0x1B, v0  }
0x1f: {  	[tilespmem:$0x1FDD0] =	vst v1;
	v1 =	vor.u32 $0x1C, v0  }
0x20: {  	[tilespmem:$0x1FDE0] =	vst v1;
	v1 =	vor.u32 $0x1D, v0  }
0x21: {  	[tilespmem:$0x1FDF0] =	vst v1;
	v1 =	vor.u32 $0x1E, v0  }
0x22: {  	[tilespmem:$0x1FE00] =	vst v1;
	v1 =	vor.u32 $0x1F, v0  }
0x23: {  	[tilespmem:$0x1FE10] =	vst v1;
	v1 =	vor.u32 $0x20, v0  }
0x24: {  	[tilespmem:$0x1FE20] =	vst v1;
	v1 =	vor.u32 $0x21, v0  }
0x25: {  	[tilespmem:$0x1FE30] =	vst v1;
	v1 =	vor.u32 $0x22, v0  }
0x26: {  	[tilespmem:$0x1FE40] =	vst v1;
	v1 =	vor.u32 $0x23, v0  }
0x27: {  	[tilespmem:$0x1FE50] =	vst v1;
	v1 =	vor.u32 $0x24, v0  }
0x28: {  	[tilespmem:$0x1FE60] =	vst v1;
	v1 =	vor.u32 $0x25, v0  }
0x29: {  	[tilespmem:$0x1FE70] =	vst v1;
	v1 =	vor.u32 $0x26, v0  }
0x2a: {  	[tilespmem:$0x1FE80] =	vst v1;
	v1 =	vor.u32 $0x27, v0  }
0x2b: {  	[tilespmem:$0x1FE90] =	vst v1;
	v1 =	vor.u32 $0x28, v0  }
0x2c: {  	[tilespmem:$0x1FEA0] =	vst v1;
	v1 =	vor.u32 $0x29, v0  }
0x2d: {  	[tilespmem:$0x1FEB0] =	vst v1;
	v1 =	vor.u32 $0x2A, v0  }
0x2e: {  	[tilespmem:$0x1FEC0] =	vst v1;
	v1 =	vor.u32 $0x2B, v0  }
0x2f: {  	[tilespmem:$0x1FED0] =	vst v1;
	v1 =	vor.u32 $0x2C, v0  }
0x30: {  	[tilespmem:$0x1FEE0] =	vst v1;
	v1 =	vor.u32 $0x2D, v0  }
0x31: {  	[tilespmem:$0x1FEF0] =	vst v1;
	v1 =	vor.u32 $0x2E, v0  }
0x32: {  	[tilespmem:$0x1FF00] =	vst v1;
	v1 =	vor.u32 $0x2F, v0  }
0x33: {  	s5 =	rddreg [dreg:$0x0];
	[tilespmem:$0x1FF10] =	vst v1;
	v1 =	vor.u32 $0x30, v0  }
0x34: {  	s1 =	rddreg [dreg:$0x1];
	s2 =	simm.s32 $0x0;
	[tilespmem:$0x1FF20] =	vst v1;
	v1 =	vor.u32 $0x31, v0  }
0x35: {  	[smem:$0x7FF] =	sst s2;
	[tilespmem:$0x1FF30] =	vst v1;
	v1 =	vor.u32 $0x32, v0  }
0x36: {  	s0 =	rddreg [dreg:$0x2];
	_ =	strace $0x80000047;
	[tilespmem:$0x1FF40] =	vst v1;
	v1 =	vor.u32 $0x33, v0  }
0x37: {  	[tilespmem:$0x1FF50] =	vst v1;
	v1 =	vor.u32 $0x34, v0  }
0x38: {  	[tilespmem:$0x1FF60] =	vst v1;
	v1 =	vor.u32 $0x35, v0  }
0x39: {  	[tilespmem:$0x1FF70] =	vst v1;
	v1 =	vor.u32 $0x36, v0  }
0x3a: {  	[tilespmem:$0x1FF80] =	vst v1;
	v1 =	vor.u32 $0x37, v0  }
0x3b: {  	[tilespmem:$0x1FF90] =	vst v1;
	v1 =	vor.u32 $0x38, v0  }
0x3c: {  	s3 =	srdreg.scid;
	[tilespmem:$0x1FFA0] =	vst v1;
	v1 =	vor.u32 $0x39, v0  }
0x3d: {  	s10 =	simm.s32 $0x0;
	s6 =	sand.u32 $0x1, s3;
	[tilespmem:$0x1FFB0] =	vst v1;
	v1 =	vor.u32 $0x3A, v0  }
0x3e: {  	s3 =	stileid.u32;
	s4 =	sadd.s32 $0x800, s5;
	s7 =	ssub.s32 $0x2, s6;
	[tilespmem:$0x1FFC0] =	vst v1;
	v1 =	vor.u32 $0x3B, v0  }
0x3f: {  	s5 =	sadd.s32 $0xC00, s5;
	s9 =	sshll.u32 s3, $0x1;
	s8 =	sshrl.u32 s7, $0x1;
	[tilespmem:$0x1FFD0] =	vst v1;
	v1 =	vor.u32 $0x3C, v0  }
0x40: {  	s6 =	sor.u32 s6, s9;
	s9 =	simm.s32 $0x2200;
	s7 =	ssub.s32 s7, s8;
	[tilespmem:$0x1FFE0] =	vst v1;
	v1 =	vor.u32 $0x3D, v0  }
0x41: {  	s6 =	smul.u32 $0x19000, s6;
	s8 =	simm.s32 $0x1;
	s7 =	smax.u32 s7, $0x1;
	[tilespmem:$0x1FFF0] =	vst v1  }
.LBB2_1:
0x42: {  	[tilespmem:s2], [sflag:$0x1] =	stream.linear.gather [hbm4b:s4+s2], $0x2000, $0x38;
	[tilespmem:$0xA200] =	vst v63  }
0x43: {  	_ =	swait.ge [sflag:s8], $0x2000  }
0x44: {  	[sflag:s8] =	ssyncset.done $0x0  }
0x45: {  	s11 =	simm.s32 $0x0;
	[sflag:s8] =	ssyncadd.s32 $0xFFFFE000  }
.LBB2_2:
0x46: {  	s12 =	sshll.u32 s11, $0x9  }
0x47: {  	s12 =	sadd.s32 s6, s12  }
0x48: {  	s13 =	sshrl.u32 s12, $0x3  }
0x49: {  	s14 =	simm.s32 $0x2000;
	s15 =	sadd.s32 s5, s13;
	s13 =	simm.s32 $0x0  }
0x4a: {  	[tilespmem:s14], [sflag:$0x1] =	stream.linear.gather [hbm4b:s15+s13], $0x200, $0x38;
	[tilespmem:$0xA200] =	vst v63  }
0x4b: {  	_ =	swait.ge [sflag:s8], $0x200  }
0x4c: {  	v8 =	vld [tilespmem:$0x1FC60]  }
0x4d: {  	v9 =	vld [tilespmem:$0x1FC70]  }
0x4e: {  	v10 =	vld [tilespmem:$0x1FC80]  }
0x4f: {  	v11 =	vld [tilespmem:$0x1FC90]  }
0x50: {  	v12 =	vld [tilespmem:$0x1FCA0]  }
0x51: {  	v13 =	vld [tilespmem:$0x1FCB0]  }
0x52: {  	v14 =	vld [tilespmem:$0x1FCC0]  }
0x53: {  	v15 =	vld [tilespmem:$0x1FCD0]  }
0x54: {  	v16 =	vld [tilespmem:$0x1FCE0]  }
0x55: {  	v17 =	vld [tilespmem:$0x1FCF0]  }
0x56: {  	v18 =	vld [tilespmem:$0x1FD00]  }
0x57: {  	v19 =	vld [tilespmem:$0x1FD10]  }
0x58: {  	v20 =	vld [tilespmem:$0x1FD20]  }
0x59: {  	v21 =	vld [tilespmem:$0x1FD30]  }
0x5a: {  	v22 =	vld [tilespmem:$0x1FD40]  }
0x5b: {  	v23 =	vld [tilespmem:$0x1FD50]  }
0x5c: {  	v24 =	vld [tilespmem:$0x1FD60]  }
0x5d: {  	v25 =	vld [tilespmem:$0x1FD70]  }
0x5e: {  	v26 =	vld [tilespmem:$0x1FD80]  }
0x5f: {  	v27 =	vld [tilespmem:$0x1FD90]  }
0x60: {  	v28 =	vld [tilespmem:$0x1FDA0]  }
0x61: {  	v29 =	vld [tilespmem:$0x1FDB0]  }
0x62: {  	v30 =	vld [tilespmem:$0x1FDC0]  }
0x63: {  	v31 =	vld [tilespmem:$0x1FDD0]  }
0x64: {  	v32 =	vld [tilespmem:$0x1FDE0]  }
0x65: {  	v33 =	vld [tilespmem:$0x1FDF0]  }
0x66: {  	v34 =	vld [tilespmem:$0x1FE00]  }
0x67: {  	v35 =	vld [tilespmem:$0x1FE10]  }
0x68: {  	v36 =	vld [tilespmem:$0x1FE20]  }
0x69: {  	v37 =	vld [tilespmem:$0x1FE30]  }
0x6a: {  	v38 =	vld [tilespmem:$0x1FE40]  }
0x6b: {  	v39 =	vld [tilespmem:$0x1FE50]  }
0x6c: {  	v40 =	vld [tilespmem:$0x1FE60]  }
0x6d: {  	v41 =	vld [tilespmem:$0x1FE70]  }
0x6e: {  	v42 =	vld [tilespmem:$0x1FE80]  }
0x6f: {  	v43 =	vld [tilespmem:$0x1FE90]  }
0x70: {  	v44 =	vld [tilespmem:$0x1FEA0]  }
0x71: {  	v45 =	vld [tilespmem:$0x1FEB0]  }
0x72: {  	v46 =	vld [tilespmem:$0x1FEC0]  }
0x73: {  	v47 =	vld [tilespmem:$0x1FED0]  }
0x74: {  	v48 =	vld [tilespmem:$0x1FEE0]  }
0x75: {  	v49 =	vld [tilespmem:$0x1FEF0]  }
0x76: {  	v50 =	vld [tilespmem:$0x1FF00]  }
0x77: {  	v51 =	vld [tilespmem:$0x1FF10]  }
0x78: {  	v52 =	vld [tilespmem:$0x1FF20]  }
0x79: {  	v53 =	vld [tilespmem:$0x1FF30]  }
0x7a: {  	v54 =	vld [tilespmem:$0x1FF40]  }
0x7b: {  	v55 =	vld [tilespmem:$0x1FF50]  }
0x7c: {  	v56 =	vld [tilespmem:$0x1FF60]  }
0x7d: {  	v57 =	vld [tilespmem:$0x1FF70]  }
0x7e: {  	v58 =	vld [tilespmem:$0x1FF80]  }
0x7f: {  	v59 =	vld [tilespmem:$0x1FF90]  }
0x80: {  	v60 =	vld [tilespmem:$0x1FFA0]  }
0x81: {  	v61 =	vld [tilespmem:$0x1FFB0]  }
0x82: {  	v62 =	vld [tilespmem:$0x1FFC0]  }
0x83: {  	v5 =	vld [tilespmem:$0x1FFD0]  }
0x84: {  	[sflag:s8] =	ssyncset.done $0x0;
	v6 =	vld [tilespmem:$0x1FFE0]  }
0x85: {  	v7 =	vld [tilespmem:$0x1FFF0];
	[sflag:s8] =	ssyncadd.s32 $0xFFFFFE00  }
.LBB2_3:
0x86: {  	v63 =	vld [tilespmem:s14+$0x0];
	_ =	sdelay $0x4  }
0x87: {  	v63 =	vshll.u32 v63, $0x6;
	_ =	sdelay $0x3  }
0x88: {  	v1 =	vor.u32 s13, v0  }
0x89: {  	v1 =	vand.u32 v4, v1;
	v2 =	vld.idx.msk [tilespmem:v63+s2+$0x0], $0xffff;
	_ =	sdelay $0x4  }
0x8a: {  	v3 =	vor.u32 $0x1, v63;
	[tilespmem:v1+s9+$0x0] =	vst.idx.msk $0xffff, v2;
	v2 =	vld [tilespmem:$0x1FC30];
	_ =	sdelay $0x4  }
0x8b: {  	v1 =	vld.idx.msk [tilespmem:v3+s2+$0x0], $0xffff;
	v2 =	vor.u32 s13, v2;
	_ =	sdelay $0x4  }
0x8c: {  	v3 =	vor.u32 $0x2, v63;
	[tilespmem:v2+s9+$0x0] =	vst.idx.msk $0xffff, v1;
	v2 =	vld [tilespmem:$0x1FC40];
	_ =	sdelay $0x4  }
0x8d: {  	v1 =	vld.idx.msk [tilespmem:v3+s2+$0x0], $0xffff;
	v2 =	vor.u32 s13, v2;
	_ =	sdelay $0x4  }
0x8e: {  	v3 =	vor.u32 $0x3, v63;
	[tilespmem:v2+s9+$0x0] =	vst.idx.msk $0xffff, v1;
	v2 =	vld [tilespmem:$0x1FC50];
	_ =	sdelay $0x4  }
0x8f: {  	v1 =	vld.idx.msk [tilespmem:v3+s2+$0x0], $0xffff;
	v2 =	vor.u32 s13, v2  }
0x90: {  	v3 =	vor.u32 $0x4, v63;
	_ =	sdelay $0x3  }
0x91: {  	[tilespmem:v2+s9+$0x0] =	vst.idx.msk $0xffff, v1  }
0x92: {  	v2 =	vor.u32 s13, v8;
	v1 =	vld.idx.msk [tilespmem:v3+s2+$0x0], $0xffff  }
0x93: {  	v3 =	vor.u32 $0x5, v63;
	_ =	sdelay $0x3  }
0x94: {  	[tilespmem:v2+s9+$0x0] =	vst.idx.msk $0xffff, v1  }
0x95: {  	v2 =	vor.u32 s13, v9;
	v1 =	vld.idx.msk [tilespmem:v3+s2+$0x0], $0xffff  }
0x96: {  	v3 =	vor.u32 $0x6, v63;
	_ =	sdelay $0x3  }
0x97: {  	[tilespmem:v2+s9+$0x0] =	vst.idx.msk $0xffff, v1  }
0x98: {  	v2 =	vor.u32 s13, v10;
	v1 =	vld.idx.msk [tilespmem:v3+s2+$0x0], $0xffff  }
0x99: {  	v3 =	vor.u32 $0x7, v63;
	_ =	sdelay $0x3  }
0x9a: {  	[tilespmem:v2+s9+$0x0] =	vst.idx.msk $0xffff, v1  }
0x9b: {  	v2 =	vor.u32 s13, v11;
	v1 =	vld.idx.msk [tilespmem:v3+s2+$0x0], $0xffff  }
0x9c: {  	v3 =	vor.u32 $0x8, v63;
	_ =	sdelay $0x3  }
0x9d: {  	[tilespmem:v2+s9+$0x0] =	vst.idx.msk $0xffff, v1  }
0x9e: {  	v2 =	vor.u32 s13, v12;
	v1 =	vld.idx.msk [tilespmem:v3+s2+$0x0], $0xffff  }
0x9f: {  	v3 =	vor.u32 $0x9, v63;
	_ =	sdelay $0x3  }
0xa0: {  	[tilespmem:v2+s9+$0x0] =	vst.idx.msk $0xffff, v1  }
0xa1: {  	v2 =	vor.u32 s13, v13;
	v1 =	vld.idx.msk [tilespmem:v3+s2+$0x0], $0xffff  }
0xa2: {  	v3 =	vor.u32 $0xA, v63;
	_ =	sdelay $0x3  }
0xa3: {  	[tilespmem:v2+s9+$0x0] =	vst.idx.msk $0xffff, v1  }
0xa4: {  	v2 =	vor.u32 s13, v14;
	v1 =	vld.idx.msk [tilespmem:v3+s2+$0x0], $0xffff  }
0xa5: {  	v3 =	vor.u32 $0xB, v63;
	_ =	sdelay $0x3  }
0xa6: {  	[tilespmem:v2+s9+$0x0] =	vst.idx.msk $0xffff, v1  }
0xa7: {  	v2 =	vor.u32 s13, v15;
	v1 =	vld.idx.msk [tilespmem:v3+s2+$0x0], $0xffff  }
0xa8: {  	v3 =	vor.u32 $0xC, v63;
	_ =	sdelay $0x3  }
0xa9: {  	[tilespmem:v2+s9+$0x0] =	vst.idx.msk $0xffff, v1  }
0xaa: {  	v2 =	vor.u32 s13, v16;
	v1 =	vld.idx.msk [tilespmem:v3+s2+$0x0], $0xffff  }
0xab: {  	v3 =	vor.u32 $0xD, v63;
	_ =	sdelay $0x3  }
0xac: {  	[tilespmem:v2+s9+$0x0] =	vst.idx.msk $0xffff, v1  }
0xad: {  	v2 =	vor.u32 s13, v17;
	v1 =	vld.idx.msk [tilespmem:v3+s2+$0x0], $0xffff  }
0xae: {  	v3 =	vor.u32 $0xE, v63;
	_ =	sdelay $0x3  }
0xaf: {  	[tilespmem:v2+s9+$0x0] =	vst.idx.msk $0xffff, v1  }
0xb0: {  	v2 =	vor.u32 s13, v18;
	v1 =	vld.idx.msk [tilespmem:v3+s2+$0x0], $0xffff  }
0xb1: {  	v3 =	vor.u32 $0xF, v63;
	_ =	sdelay $0x3  }
0xb2: {  	[tilespmem:v2+s9+$0x0] =	vst.idx.msk $0xffff, v1  }
0xb3: {  	v2 =	vor.u32 s13, v19;
	v1 =	vld.idx.msk [tilespmem:v3+s2+$0x0], $0xffff  }
0xb4: {  	v3 =	vor.u32 $0x10, v63;
	_ =	sdelay $0x3  }
0xb5: {  	[tilespmem:v2+s9+$0x0] =	vst.idx.msk $0xffff, v1  }
0xb6: {  	v2 =	vor.u32 s13, v20;
	v1 =	vld.idx.msk [tilespmem:v3+s2+$0x0], $0xffff  }
0xb7: {  	v3 =	vor.u32 $0x11, v63;
	_ =	sdelay $0x3  }
0xb8: {  	[tilespmem:v2+s9+$0x0] =	vst.idx.msk $0xffff, v1  }
0xb9: {  	v2 =	vor.u32 s13, v21;
	v1 =	vld.idx.msk [tilespmem:v3+s2+$0x0], $0xffff  }
0xba: {  	v3 =	vor.u32 $0x12, v63;
	_ =	sdelay $0x3  }
0xbb: {  	[tilespmem:v2+s9+$0x0] =	vst.idx.msk $0xffff, v1  }
0xbc: {  	v2 =	vor.u32 s13, v22;
	v1 =	vld.idx.msk [tilespmem:v3+s2+$0x0], $0xffff  }
0xbd: {  	v3 =	vor.u32 $0x13, v63;
	_ =	sdelay $0x3  }
0xbe: {  	[tilespmem:v2+s9+$0x0] =	vst.idx.msk $0xffff, v1  }
0xbf: {  	v2 =	vor.u32 s13, v23;
	v1 =	vld.idx.msk [tilespmem:v3+s2+$0x0], $0xffff  }
0xc0: {  	v3 =	vor.u32 $0x14, v63;
	_ =	sdelay $0x3  }
0xc1: {  	[tilespmem:v2+s9+$0x0] =	vst.idx.msk $0xffff, v1  }
0xc2: {  	v2 =	vor.u32 s13, v24;
	v1 =	vld.idx.msk [tilespmem:v3+s2+$0x0], $0xffff  }
0xc3: {  	v3 =	vor.u32 $0x15, v63;
	_ =	sdelay $0x3  }
0xc4: {  	[tilespmem:v2+s9+$0x0] =	vst.idx.msk $0xffff, v1  }
0xc5: {  	v2 =	vor.u32 s13, v25;
	v1 =	vld.idx.msk [tilespmem:v3+s2+$0x0], $0xffff  }
0xc6: {  	v3 =	vor.u32 $0x16, v63;
	_ =	sdelay $0x3  }
0xc7: {  	[tilespmem:v2+s9+$0x0] =	vst.idx.msk $0xffff, v1  }
0xc8: {  	v2 =	vor.u32 s13, v26;
	v1 =	vld.idx.msk [tilespmem:v3+s2+$0x0], $0xffff  }
0xc9: {  	v3 =	vor.u32 $0x17, v63;
	_ =	sdelay $0x3  }
0xca: {  	[tilespmem:v2+s9+$0x0] =	vst.idx.msk $0xffff, v1  }
0xcb: {  	v2 =	vor.u32 s13, v27;
	v1 =	vld.idx.msk [tilespmem:v3+s2+$0x0], $0xffff  }
0xcc: {  	v3 =	vor.u32 $0x18, v63;
	_ =	sdelay $0x3  }
0xcd: {  	[tilespmem:v2+s9+$0x0] =	vst.idx.msk $0xffff, v1  }
0xce: {  	v2 =	vor.u32 s13, v28;
	v1 =	vld.idx.msk [tilespmem:v3+s2+$0x0], $0xffff  }
0xcf: {  	v3 =	vor.u32 $0x19, v63;
	_ =	sdelay $0x3  }
0xd0: {  	[tilespmem:v2+s9+$0x0] =	vst.idx.msk $0xffff, v1  }
0xd1: {  	v2 =	vor.u32 s13, v29;
	v1 =	vld.idx.msk [tilespmem:v3+s2+$0x0], $0xffff  }
0xd2: {  	v3 =	vor.u32 $0x1A, v63;
	_ =	sdelay $0x3  }
0xd3: {  	[tilespmem:v2+s9+$0x0] =	vst.idx.msk $0xffff, v1  }
0xd4: {  	v2 =	vor.u32 s13, v30;
	v1 =	vld.idx.msk [tilespmem:v3+s2+$0x0], $0xffff  }
0xd5: {  	v3 =	vor.u32 $0x1B, v63;
	_ =	sdelay $0x3  }
0xd6: {  	[tilespmem:v2+s9+$0x0] =	vst.idx.msk $0xffff, v1  }
0xd7: {  	v2 =	vor.u32 s13, v31;
	v1 =	vld.idx.msk [tilespmem:v3+s2+$0x0], $0xffff  }
0xd8: {  	v3 =	vor.u32 $0x1C, v63;
	_ =	sdelay $0x3  }
0xd9: {  	[tilespmem:v2+s9+$0x0] =	vst.idx.msk $0xffff, v1  }
0xda: {  	v2 =	vor.u32 s13, v32;
	v1 =	vld.idx.msk [tilespmem:v3+s2+$0x0], $0xffff  }
0xdb: {  	v3 =	vor.u32 $0x1D, v63;
	_ =	sdelay $0x3  }
0xdc: {  	[tilespmem:v2+s9+$0x0] =	vst.idx.msk $0xffff, v1  }
0xdd: {  	v2 =	vor.u32 s13, v33;
	v1 =	vld.idx.msk [tilespmem:v3+s2+$0x0], $0xffff  }
0xde: {  	v3 =	vor.u32 $0x1E, v63;
	_ =	sdelay $0x3  }
0xdf: {  	[tilespmem:v2+s9+$0x0] =	vst.idx.msk $0xffff, v1  }
0xe0: {  	v2 =	vor.u32 s13, v34;
	v1 =	vld.idx.msk [tilespmem:v3+s2+$0x0], $0xffff  }
0xe1: {  	v3 =	vor.u32 $0x1F, v63;
	_ =	sdelay $0x3  }
0xe2: {  	[tilespmem:v2+s9+$0x0] =	vst.idx.msk $0xffff, v1  }
0xe3: {  	v2 =	vor.u32 s13, v35;
	v1 =	vld.idx.msk [tilespmem:v3+s2+$0x0], $0xffff  }
0xe4: {  	v3 =	vor.u32 $0x20, v63;
	_ =	sdelay $0x3  }
0xe5: {  	[tilespmem:v2+s9+$0x0] =	vst.idx.msk $0xffff, v1  }
0xe6: {  	v2 =	vor.u32 s13, v36;
	v1 =	vld.idx.msk [tilespmem:v3+s2+$0x0], $0xffff  }
0xe7: {  	v3 =	vor.u32 $0x21, v63;
	_ =	sdelay $0x3  }
0xe8: {  	[tilespmem:v2+s9+$0x0] =	vst.idx.msk $0xffff, v1  }
0xe9: {  	v2 =	vor.u32 s13, v37;
	v1 =	vld.idx.msk [tilespmem:v3+s2+$0x0], $0xffff  }
0xea: {  	v3 =	vor.u32 $0x22, v63;
	_ =	sdelay $0x3  }
0xeb: {  	[tilespmem:v2+s9+$0x0] =	vst.idx.msk $0xffff, v1  }
0xec: {  	v2 =	vor.u32 s13, v38;
	v1 =	vld.idx.msk [tilespmem:v3+s2+$0x0], $0xffff  }
0xed: {  	v3 =	vor.u32 $0x23, v63;
	_ =	sdelay $0x3  }
0xee: {  	[tilespmem:v2+s9+$0x0] =	vst.idx.msk $0xffff, v1  }
0xef: {  	v2 =	vor.u32 s13, v39;
	v1 =	vld.idx.msk [tilespmem:v3+s2+$0x0], $0xffff  }
0xf0: {  	v3 =	vor.u32 $0x24, v63;
	_ =	sdelay $0x3  }
0xf1: {  	[tilespmem:v2+s9+$0x0] =	vst.idx.msk $0xffff, v1  }
0xf2: {  	v2 =	vor.u32 s13, v40;
	v1 =	vld.idx.msk [tilespmem:v3+s2+$0x0], $0xffff  }
0xf3: {  	v3 =	vor.u32 $0x25, v63;
	_ =	sdelay $0x3  }
0xf4: {  	[tilespmem:v2+s9+$0x0] =	vst.idx.msk $0xffff, v1  }
0xf5: {  	v2 =	vor.u32 s13, v41;
	v1 =	vld.idx.msk [tilespmem:v3+s2+$0x0], $0xffff  }
0xf6: {  	v3 =	vor.u32 $0x26, v63;
	_ =	sdelay $0x3  }
0xf7: {  	[tilespmem:v2+s9+$0x0] =	vst.idx.msk $0xffff, v1  }
0xf8: {  	v2 =	vor.u32 s13, v42;
	v1 =	vld.idx.msk [tilespmem:v3+s2+$0x0], $0xffff  }
0xf9: {  	v3 =	vor.u32 $0x27, v63;
	_ =	sdelay $0x3  }
0xfa: {  	[tilespmem:v2+s9+$0x0] =	vst.idx.msk $0xffff, v1  }
0xfb: {  	v2 =	vor.u32 s13, v43;
	v1 =	vld.idx.msk [tilespmem:v3+s2+$0x0], $0xffff  }
0xfc: {  	v3 =	vor.u32 $0x28, v63;
	_ =	sdelay $0x3  }
0xfd: {  	[tilespmem:v2+s9+$0x0] =	vst.idx.msk $0xffff, v1  }
0xfe: {  	v2 =	vor.u32 s13, v44;
	v1 =	vld.idx.msk [tilespmem:v3+s2+$0x0], $0xffff  }
0xff: {  	v3 =	vor.u32 $0x29, v63;
	_ =	sdelay $0x3  }
0x100: {  	[tilespmem:v2+s9+$0x0] =	vst.idx.msk $0xffff, v1  }
0x101: {  	v2 =	vor.u32 s13, v45;
	v1 =	vld.idx.msk [tilespmem:v3+s2+$0x0], $0xffff  }
0x102: {  	v3 =	vor.u32 $0x2A, v63;
	_ =	sdelay $0x3  }
0x103: {  	[tilespmem:v2+s9+$0x0] =	vst.idx.msk $0xffff, v1  }
0x104: {  	v2 =	vor.u32 s13, v46;
	v1 =	vld.idx.msk [tilespmem:v3+s2+$0x0], $0xffff  }
0x105: {  	v3 =	vor.u32 $0x2B, v63;
	_ =	sdelay $0x3  }
0x106: {  	[tilespmem:v2+s9+$0x0] =	vst.idx.msk $0xffff, v1  }
0x107: {  	v2 =	vor.u32 s13, v47;
	v1 =	vld.idx.msk [tilespmem:v3+s2+$0x0], $0xffff  }
0x108: {  	v3 =	vor.u32 $0x2C, v63;
	_ =	sdelay $0x3  }
0x109: {  	[tilespmem:v2+s9+$0x0] =	vst.idx.msk $0xffff, v1  }
0x10a: {  	v2 =	vor.u32 s13, v48;
	v1 =	vld.idx.msk [tilespmem:v3+s2+$0x0], $0xffff  }
0x10b: {  	v3 =	vor.u32 $0x2D, v63;
	_ =	sdelay $0x3  }
0x10c: {  	[tilespmem:v2+s9+$0x0] =	vst.idx.msk $0xffff, v1  }
0x10d: {  	v2 =	vor.u32 s13, v49;
	v1 =	vld.idx.msk [tilespmem:v3+s2+$0x0], $0xffff  }
0x10e: {  	v3 =	vor.u32 $0x2E, v63;
	_ =	sdelay $0x3  }
0x10f: {  	[tilespmem:v2+s9+$0x0] =	vst.idx.msk $0xffff, v1  }
0x110: {  	v2 =	vor.u32 s13, v50;
	v1 =	vld.idx.msk [tilespmem:v3+s2+$0x0], $0xffff  }
0x111: {  	v3 =	vor.u32 $0x2F, v63;
	_ =	sdelay $0x3  }
0x112: {  	[tilespmem:v2+s9+$0x0] =	vst.idx.msk $0xffff, v1  }
0x113: {  	v2 =	vor.u32 s13, v51;
	v1 =	vld.idx.msk [tilespmem:v3+s2+$0x0], $0xffff  }
0x114: {  	v3 =	vor.u32 $0x30, v63;
	_ =	sdelay $0x3  }
0x115: {  	[tilespmem:v2+s9+$0x0] =	vst.idx.msk $0xffff, v1  }
0x116: {  	v2 =	vor.u32 s13, v52;
	v1 =	vld.idx.msk [tilespmem:v3+s2+$0x0], $0xffff  }
0x117: {  	v3 =	vor.u32 $0x31, v63;
	_ =	sdelay $0x3  }
0x118: {  	[tilespmem:v2+s9+$0x0] =	vst.idx.msk $0xffff, v1  }
0x119: {  	v2 =	vor.u32 s13, v53;
	v1 =	vld.idx.msk [tilespmem:v3+s2+$0x0], $0xffff  }
0x11a: {  	v3 =	vor.u32 $0x32, v63;
	_ =	sdelay $0x3  }
0x11b: {  	[tilespmem:v2+s9+$0x0] =	vst.idx.msk $0xffff, v1  }
0x11c: {  	v2 =	vor.u32 s13, v54;
	v1 =	vld.idx.msk [tilespmem:v3+s2+$0x0], $0xffff  }
0x11d: {  	v3 =	vor.u32 $0x33, v63;
	_ =	sdelay $0x3  }
0x11e: {  	[tilespmem:v2+s9+$0x0] =	vst.idx.msk $0xffff, v1  }
0x11f: {  	v2 =	vor.u32 s13, v55;
	v1 =	vld.idx.msk [tilespmem:v3+s2+$0x0], $0xffff  }
0x120: {  	v3 =	vor.u32 $0x34, v63;
	_ =	sdelay $0x3  }
0x121: {  	[tilespmem:v2+s9+$0x0] =	vst.idx.msk $0xffff, v1  }
0x122: {  	v2 =	vor.u32 s13, v56;
	v1 =	vld.idx.msk [tilespmem:v3+s2+$0x0], $0xffff  }
0x123: {  	v3 =	vor.u32 $0x35, v63;
	_ =	sdelay $0x3  }
0x124: {  	[tilespmem:v2+s9+$0x0] =	vst.idx.msk $0xffff, v1  }
0x125: {  	v2 =	vor.u32 s13, v57;
	v1 =	vld.idx.msk [tilespmem:v3+s2+$0x0], $0xffff  }
0x126: {  	v3 =	vor.u32 $0x36, v63;
	_ =	sdelay $0x3  }
0x127: {  	[tilespmem:v2+s9+$0x0] =	vst.idx.msk $0xffff, v1  }
0x128: {  	v2 =	vor.u32 s13, v58;
	v1 =	vld.idx.msk [tilespmem:v3+s2+$0x0], $0xffff  }
0x129: {  	v3 =	vor.u32 $0x37, v63;
	_ =	sdelay $0x3  }
0x12a: {  	[tilespmem:v2+s9+$0x0] =	vst.idx.msk $0xffff, v1  }
0x12b: {  	v2 =	vor.u32 s13, v59;
	v1 =	vld.idx.msk [tilespmem:v3+s2+$0x0], $0xffff  }
0x12c: {  	v3 =	vor.u32 $0x38, v63;
	_ =	sdelay $0x3  }
0x12d: {  	[tilespmem:v2+s9+$0x0] =	vst.idx.msk $0xffff, v1  }
0x12e: {  	v2 =	vor.u32 s13, v60;
	v1 =	vld.idx.msk [tilespmem:v3+s2+$0x0], $0xffff  }
0x12f: {  	v3 =	vor.u32 $0x39, v63;
	_ =	sdelay $0x3  }
0x130: {  	[tilespmem:v2+s9+$0x0] =	vst.idx.msk $0xffff, v1  }
0x131: {  	v2 =	vor.u32 s13, v61;
	v1 =	vld.idx.msk [tilespmem:v3+s2+$0x0], $0xffff  }
0x132: {  	v3 =	vor.u32 $0x3A, v63;
	_ =	sdelay $0x3  }
0x133: {  	[tilespmem:v2+s9+$0x0] =	vst.idx.msk $0xffff, v1  }
0x134: {  	v2 =	vor.u32 s13, v62;
	v1 =	vld.idx.msk [tilespmem:v3+s2+$0x0], $0xffff  }
0x135: {  	v3 =	vor.u32 $0x3B, v63;
	_ =	sdelay $0x3  }
0x136: {  	[tilespmem:v2+s9+$0x0] =	vst.idx.msk $0xffff, v1  }
0x137: {  	v2 =	vor.u32 s13, v5;
	v1 =	vld.idx.msk [tilespmem:v3+s2+$0x0], $0xffff  }
0x138: {  	v3 =	vor.u32 $0x3C, v63;
	_ =	sdelay $0x3  }
0x139: {  	[tilespmem:v2+s9+$0x0] =	vst.idx.msk $0xffff, v1  }
0x13a: {  	v2 =	vor.u32 s13, v6;
	v1 =	vld.idx.msk [tilespmem:v3+s2+$0x0], $0xffff  }
0x13b: {  	v3 =	vor.u32 $0x3D, v63;
	_ =	sdelay $0x3  }
0x13c: {  	[tilespmem:v2+s9+$0x0] =	vst.idx.msk $0xffff, v1  }
0x13d: {  	v2 =	vor.u32 s13, v7;
	v1 =	vld.idx.msk [tilespmem:v3+s2+$0x0], $0xffff  }
0x13e: {  	v3 =	vor.u32 $0x3E, v63;
	_ =	sdelay $0x3  }
0x13f: {  	[tilespmem:v2+s9+$0x0] =	vst.idx.msk $0xffff, v1;
	v1 =	vor.u32 $0x3E, v0  }
0x140: {  	v2 =	vld.idx.msk [tilespmem:v3+s2+$0x0], $0xffff;
	v1 =	vor.u32 s13, v1  }
0x141: {  	v3 =	vor.u32 $0x3F, v63;
	_ =	sdelay $0x3  }
0x142: {  	[tilespmem:v1+s9+$0x0] =	vst.idx.msk $0xffff, v2;
	v1 =	vor.u32 $0x3F, v0  }
0x143: {  	p0 =	sne.s32 s13, $0x7C00;
	v2 =	vld.idx.msk [tilespmem:v3+s2+$0x0], $0xffff;
	v1 =	vor.u32 s13, v1  }
.Ltmp0:
0x144: {  	_ = 	snop;
	(pc) =	sbr.rel @p0 .LBB2_3-.Ltmp0, $2  }
0x145: {  	_ =	sdelay $0x2  }
0x146: {  	s14 =	sadd.s32 $0x10, s14;
	s13 =	sadd.s32 $0x400, s13;
	[tilespmem:v1+s9+$0x0] =	vst.idx.msk $0xffff, v2  }
0x147: {  	s11 =	sadd.s32 $0x1, s11  }
0x148: {  	s12 =	sshll.u32 s12, $0x3;
	p0 =	sne.s32 s11, $0xC8  }
.Ltmp1:
0x149: {  	s12 =	sadd.s32 s1, s12;
	(pc) =	sbr.rel @p0 .LBB2_2-.Ltmp1, $4  }
0x14a: {  	[hbm4b:s12+s2] =	stream.linear.scatter [tilespmem:s9], [sflag:$0x1], $0x8000, $0x38;
	[tilespmem:$0xA200] =	vst v63  }
0x14b: {  	_ =	swait.ge [sflag:s8], $0x8000  }
0x14c: {  	[sflag:s8] =	ssyncset.done $0x0  }
0x14d: {  	[sflag:s8] =	ssyncadd.s32 $0xFFFF8000  }
0x14e: {  	s10 =	sadd.s32 $0x1, s10  }
0x14f: {  	p0 =	sne.s32 s10, s7  }
.Ltmp2:
0x150: {  	_ = 	snop;
	(pc) =	sbr.rel @p0 .LBB2_1-.Ltmp2, $1  }
0x151: {  	_ =	sdelay $0x3  }
0x152: {  	_ =	sfence.sel $0x180000  }
0x153: {  	[bflag:$0x0] =	sbarrier.arrive $0xFFFF  }
0x154: {  	p0 =	sne.s32 s3, $0x0;
	_ =	strace $0x90000047  }
0x155: {  	s0 =	sadd.s32 @!p0 $0x100000, s0;
	[bflag:$0x2] =	sbarrier.arrive $0xFFFF  }
0x156: {  	[sflag:s0] =	ssyncadd.tile.s32 @!p0 $0x1;
	_ =	shalt  }
.Lfunc_end2:
_tile_overlayer_lowered:
.L_overlay_start_2:
0x157: {  	(tag) =	ssettag $0x2  }
0x158: {  	s0 =	rddreg [dreg:$0x0];
	s2 =	stileid.u32  }
0x159: {  	s1 =	rddreg [dreg:$0x1];
	p0 =	sne.s32 s2, $0x0  }
0x15a: {  	s3 =	rddreg [dreg:$0x2];
	[bflag:$0x3] =	sbarrier.arrive $0xFFFF;
	s2 =	simm.s32 @!p0 $0x1C01  }
0x15b: {  	[timem:s3], [sflag:s2] =	dma.local @!p0 [hbm:s0], s1  }
0x15c: {  	s0 =	simm.s32 @!p0 $0x1  }
0x15d: {  	_ =	swait.ge @!p0 [sflag:s0], s1  }
0x15e: {  	s1 =	ssub.s32 @!p0 $0x0, s1;
	[sflag:s0] =	ssyncset.done @!p0 $0x0  }
0x15f: {  	[sflag:s0] =	ssyncadd.s32 @!p0 s1  }
0x160: {  	[bflag:$0x3] =	sbarrier.arrive $0xFFFF  }
0x161: {  	_ =	shalt  }

// kernel: sparse-core-data-format-call.cloned.1.call-start
scs
called_computation_lowered:
.L_overlay_start_0:
0x0: {  	s2 =	sld [smem:$0x3FD9]  }
0x1: {  	s3 =	sld [smem:$0x3FFE];
	_ =	sdelay $0x1  }
0x2: {  	s1 =	srdreg.scid  }
0x3: {  	s0 =	sand.u32 $0x1, s1  }
0x4: {  	s18 =	sshll.u32 s0, $0xA;
	s2 =	sadd.s32 s3, s2  }
0x5: {  	s2 =	sadd.s32 s2, s18  }
0x6: {  	[smem:$0x3FC6] =	sst s2  }
0x7: {  	_ = 	snop  }
0x8: {  	s2 =	sld [smem:$0x3FD0];
	(tm) =	ssettm $0x1  }
0x9: {  	s19 =	sld [smem:$0x3FFB];
	_ =	sdelay $0x3  }
0xa: {  	_ =	strace s19  }
0xb: {  	s3 =	sld [smem:$0x3FFC];
	_ =	sdelay $0x3  }
0xc: {  	_ =	strace s3  }
0xd: {  	s3 =	sld [smem:$0x3FFD];
	_ =	sdelay $0x3  }
0xe: {  	_ =	strace s3  }
0xf: {  	_ =	strace $0x8FFFFFFF  }
0x10: {  	s20 =	sld [smem:$0x3FDB];
	_ =	sdelay $0x1  }
0x11: {  	s4 =	simm.s32 $_scs_section_size  }
0x12: {  	s5 =	simm.s32 $_size__tile_overlayer_lowered;
	s6 =	simm.s32 $_tile_overlayer_lowered  }
0x13: {  	s23 =	simm.s32 $0x1BFF;
	s22 =	sshll.u32 s6, $0x1;
	s3 =	sadd.s32 s4, s20  }
0x14: {  	s7 =	simm.s32 $0x0;
	s21 =	sshll.u32 s5, $0x1;
	s5 =	sadd.s32 s22, s3  }
0x15: {  	[timem:s7], [sflag:s23] =	dma.local [hbm:s5], s21  }
0x16: {  	_ =	swait.ge [sflag:s23], s21  }
0x17: {  	s4 =	ssub.s32 $0x0, s21;
	[sflag:s23] =	ssyncset.done $0x0  }
0x18: {  	[sflag:s23] =	ssyncadd.s32 s4;
	_ =	sdelay $0x1  }
0x19: {  	s24 =	simm.s32 $0x1B8B  }
0x1a: {  	_ =	swait.ge [sflag:s24], $0x1  }
0x1b: {  	[sflag:s24] =	ssyncset.done $0x0  }
0x1c: {  	s26 =	simm.s32 $0x1B8E;
	s25 =	sld [smem:$0x3FFE];
	[sflag:s24] =	ssyncadd.s32 $0xFFFFFFFF  }
0x1d: {  	s27 =	simm.s32 $execute0_lowered;
	[smem:$0x3FD2] =	sst s26  }
0x1e: {  	s5 =	sshll.u32 s27, $0x1;
	_ =	strace $0x80000049;
	[dreg:$0x1] =	wrdreg $0xFFFFFFFF  }
0x1f: {  	s28 =	simm.s32 $_size_execute0_lowered;
	s3 =	sadd.s32 s3, s5;
	[dreg:$0x0] =	wrdreg $0x0  }
0x20: {  	s5 =	sshll.u32 s28, $0x1;
	[dreg:$0x2] =	wrdreg s3  }
0x21: {  	[dreg:$0x3] =	wrdreg s5  }
0x22: {  	[dreg:$0x4] =	wrdreg $0xC0  }
0x23: {  	_ =	task [dreg:s7], $0x5FFFF  }
0x24: {  	[dreg:$0x1] =	wrdreg $0xFFFFFFFF  }
0x25: {  	[dreg:$0x0] =	wrdreg $0x60  }
0x26: {  	[dreg:$0x2] =	wrdreg s25  }
0x27: {  	[dreg:$0x3] =	wrdreg s2  }
0x28: {  	[dreg:$0x4] =	wrdreg $0x9  }
0x29: {  	_ =	task.clear_ibuf [dreg:s7], $0x5FFFF;
	_ =	strace $0x90000049  }
0x2a: {  	s29 =	simm.s32 $0x9;
	_ =	strace $0x8000004B  }
0x2b: {  	_ =	swait.ge [sflag:s29], $0x1  }
0x2c: {  	[sflag:s29] =	ssyncadd.s32 $0xFFFFFFFF  }
0x2d: {  	_ =	strace $0x9000004B  }
0x2e: {  	_ =	sfence  }
0x2f: {  	s30 =	sld [smem:$0x0];
	_ =	sdelay $0x2  }
0x30: {  	s31 =	sshll.u32 s1, $0xD;
	s1 =	sshrl.u32 s1, $0x2  }
0x31: {  	s3 =	sand.u32 $0x4000, s31;
	s1 =	sadd.s32 s1, s30  }
0x32: {  	s0 =	sor.u32 s3, s0;
	s1 =	sshll.u32 s1, $0x11  }
0x33: {  	s0 =	sor.u32 s1, s0  }
0x34: {  	s0 =	sadd.s32 $0x8F2B, s0  }
0x35: {  	[sflag:s0] =	ssyncadd.remote.s32 $0x1  }
0x36: {  	_ =	sfence.sel $0xFFFF  }
0x37: {  	[dreg:$0x0] =	wrdreg $0xFFFFFFFF;
	(pc) =	sbr.abs _section_cstart, $3  }
0x38: {  	[dreg:$0x1] =	wrdreg $0xFFFFFFFF  }
0x39: {  	_ =	task.clear_ibuf [dreg:s7], $0x2FFFF;
	_ =	strace $0x9FFFFFFF  }
0x3a: {  	(tm) =	ssettm $0x7FFFFFFF  }
0x3b: {  	_ =	shalt  }
tec
execute0_lowered:
.L_overlay_start_1:
0x0: {  	(tag) =	ssettag $0x1  }
0x1: {  	s0 =	srdreg.scid  }
0x2: {  	s1 =	sshll.u32 s0, $0x4  }
0x3: {  	s0 =	stileid.u32;
	s1 =	sand.u32 $0x10, s1  }
0x4: {  	s1 =	sor.u32 s0, s1  }
0x5: {  	s6 =	rddreg [dreg:$0x0];
	s4 =	simm.s32 $0x1;
	s2 =	sshll.u32 s1, $0x7  }
0x6: {  	s7 =	simm.s32 $0x2;
	s12 =	simm.s32 $0x0;
	s1 =	ssub.s32 $0x4000, s2  }
0x7: {  	s8 =	simm.s32 $0x20000;
	s13 =	simm.s32 $0x0;
	s3 =	sand.u32 $0xF80, s1  }
0x8: {  	s9 =	simm.s32 $0x0;
	s5 =	sshrl.u32 s1, $0xC;
	p0 =	sne.s32 s3, $0x0  }
.Ltmp0:
0x9: {  	s1 =	rddreg [dreg:$0x2];
	s4 =	simm.s32 @!p0 $0x0;
	(pc) =	sbr.rel .LBB1_1-.Ltmp0, $4  }
0xa: {  	s11 =	simm.s32 $0x0;
	s3 =	rddreg [dreg:$0x1];
	s5 =	sadd.s32 s4, s5  }
0xb: {  	_ =	strace $0x8000004A;
	s4 =	simm.s32 $0x1;
	s5 =	smul.u32 $0xC8, s5  }
0xc: {  	s6 =	sadd.s32 $0x800, s6;
	s10 =	smov.u32 s2;
	[sflag:s4] =	ssyncpa.u1 $0x0  }
0xd: {  	p0 =	por $0x0, $0x0;
	[sflag:s7] =	ssyncpa.u1 $0x0;
	s7 =	sor.u32 $0x1, s5  }
.LBB1_4:
0xe: {  	s16 =	sshll.u32 s13, $0x3;
	s17 =	sand.u32 $0x78, s13  }
0xf: {  	s30 =	sand.u32 $0x1F800, s13;
	s12 =	sshll.u32 s12, $0x11;
	s16 =	sand.u32 $0x3C00, s16  }
0x10: {  	[tilespmem:s15+$0x810 ss:$0x81] =	vst.msk $0xffff, v2;
	s31 =	sand.u32 $0x7, s13;
	s16 =	sor.u32 s17, s16;
	s17 =	sadd.s32 s3, s30  }
0x11: {  	[tilespmem:s15+$0x1020 ss:$0x81] =	vst.msk $0xffff, v0;
	s13 =	sshll.u32 s31, $0x12;
	s12 =	sadd.s32 s12, s17;
	s16 =	sshrl.u32 s16, $0x3  }
0x12: {  	[tilespmem:s15+$0x0 ss:$0x81] =	vst.msk $0xffff, v1;
	s13 =	sor.u32 $0x400, s13;
	s12 =	sadd.s32 s16, s12  }
0x13: {  	[hbm4b:s12+s13] =	stream.strided.scatter [tilespmem:s14], [sflag:$0x2], $0x2000, s8, s13, $0x20;
	[tilespmem:$0x8080] =	vst v63  }
.LBB1_5:
0x14: {  	s14 =	sadd.s32 $0x1, s9  }
0x15: {  	s12 =	sadd.s32 $0x1000, s10;
	s16 =	smov.u32 s10;
	p2 =	sgt.s32 s14, $0xC7  }
0x16: {  	s16 =	smov.u32 @p2 s12  }
0x17: {  	s14 =	simm.s32 @p2 $0x0;
	p2 =	sgt.s32 s16, $0x3FFF  }
0x18: {  	s16 =	smov.u32 @p2 s2;
	p2 =	sne.s32 s11, s7  }
.Ltmp1:
0x19: {  	p1 =	slt.u32 s11, $0x2;
	(pc) =	sbr.rel @!p2 .LBB1_6-.Ltmp1, $4  }
0x1a: {  	s15 =	simm.s32 @!p1 $0x2  }
0x1b: {  	s13 =	smov.u32 s10;
	p0 =	por !p0, !p0;
	_ =	swait.ge @!p1 [sflag:s15], $0x2000  }
0x1c: {  	s12 =	smov.u32 s9;
	[sflag:s15] =	ssyncset.done @!p1 $0x0;
	s9 =	smov.u32 s14  }
0x1d: {  	s11 =	sadd.s32 $0x1, s11;
	[sflag:s15] =	ssyncadd.s32 @!p1 $0xFFFFE000;
	s10 =	smov.u32 s16  }
.LBB1_1:
0x1e: {  	p1 =	sge.u32 s11, s5  }
0x1f: {  	s14 =	sand.u32 @!p1 $0x1FFFFFF, s9  }
0x20: {  	s15 =	smulhi.u32 @!p1 $0x147AE15, s14;
	_ =	sdelay $0x1  }
0x21: {  	s15 =	smul.u32 @!p1 $0xC8, s15  }
0x22: {  	s16 =	sxor.u32 @!p1 $0xFFFFFFFF, s11;
	s17 =	smul.u32 @!p1 $0xC80, s10  }
0x23: {  	s31 =	sadd.s32 $0xFFFFFFFF, s11;
	s16 =	sshll.u32 @!p1 s16, $0xD;
	s14 =	ssub.s32 @!p1 s14, s15  }
0x24: {  	s15 =	sand.u32 @!p1 $0x2000, s16;
	s16 =	sadd.s32 @!p1 s6, s17;
	s14 =	sshll.u32 @!p1 s14, $0x4  }
0x25: {  	s17 =	simm.s32 @!p1 $0x6400;
	s14 =	sadd.s32 @!p1 s14, s16;
	s16 =	simm.s32 @!p1 $0x40  }
0x26: {  	[tilespmem:s15], [sflag:$0x1] =	stream.strided.gather @!p1 [hbm4b:s14+s16], $0x2000, s17, s16, $0x38;
	[tilespmem:$0x8080] =	vst v63  }
0x27: {  	p1 =	sge.u32 s31, s5  }
.Ltmp2:
0x28: {  	_ = 	snop;
	(pc) =	sbr.rel @p1 .LBB1_5-.Ltmp2, $1  }
0x29: {  	_ =	sdelay $0x3  }
0x2a: {  	s14 =	simm.s32 $0x1  }
0x2b: {  	_ =	swait.ge [sflag:s4], $0x2000;
	s14 =	simm.s32 @!p0 $0x0  }
0x2c: {  	[sflag:s4] =	ssyncset.done $0x0;
	s15 =	sshll.u32 s14, $0xD  }
0x2d: {  	[sflag:s4] =	ssyncadd.s32 $0xFFFFE000;
	s18 =	sor.u32 $0x20, s15  }
0x2e: {  	s14 =	smul.u32 $0x8100, s14;
	v3 =	vld [tilespmem:s18+$0x10]  }
0x2f: {  	s30 =	sand.u32 $0x1, s11;
	v2 =	vld [tilespmem:s18+$0xFFFFFFF0]  }
0x30: {  	s15 =	smul.u32 $0x8100, s30;
	s14 =	sshrl.u32 s14, $0x2;
	v0 =	vld [tilespmem:s18+$0x0]  }
0x31: {  	v1 =	vld [tilespmem:s18+$0xFFFFFFE0];
	s16 =	sor.u32 $0x4000, s14  }
0x32: {  	s31 =	sshrl.u32 s15, $0x2;
	s15 =	sadd.s32 $0x0, s16  }
0x33: {  	s17 =	simm.s32 $0x4;
	s18 =	sadd.s32 $0x40, s18;
	s14 =	sor.u32 $0x4000, s31;
	[tilespmem:s15+$0x1830 ss:$0x81] =	vst.msk $0xffff, v3  }
.LBB1_3:
0x34: {  	v3 =	vld [tilespmem:s18+$0x10];
	p1 =	sne.s32 s17, $0x1FC;
	[tilespmem:s15+$0x810 ss:$0x81] =	vst.msk $0xffff, v2;
	s19 =	smov.u32 s17;
	s17 =	sadd.s32 $0x4, s17  }
.Ltmp3:
0x35: {  	v2 =	vld [tilespmem:s18+$0xFFFFFFF0];
	[tilespmem:s15+$0x1020 ss:$0x81] =	vst.msk $0xffff, v0;
	(pc) =	sbr.rel @p1 .LBB1_3-.Ltmp3, $4  }
0x36: {  	v0 =	vld [tilespmem:s18+$0x0];
	[tilespmem:s15+$0x0 ss:$0x81] =	vst.msk $0xffff, v1  }
0x37: {  	s15 =	sshra.s32 s19, $0x2;
	v1 =	vld [tilespmem:s18+$0xFFFFFFE0]  }
0x38: {  	s15 =	sadd.s32 s15, s16  }
0x39: {  	s18 =	sadd.s32 $0x40, s18;
	[tilespmem:s15+$0x1830 ss:$0x81] =	vst.msk $0xffff, v3  }
.Ltmp4:
0x3a: {  	_ = 	snop;
	(pc) =	sbr.rel .LBB1_4-.Ltmp4, $1  }
0x3b: {  	_ =	sdelay $0x3  }
.LBB1_6:
0x3c: {  	_ =	sfence.sel $0x180000  }
0x3d: {  	s2 =	simm.s32 $0x1;
	[bflag:$0x0] =	sbarrier.arrive $0xFFFF  }
0x3e: {  	s31 =	simm.s32 $0x2;
	[sflag:s2] =	ssyncpa.u1 $0x1  }
0x3f: {  	[sflag:s31] =	ssyncpa.u1 $0x1  }
0x40: {  	p0 =	sne.s32 s0, $0x0;
	_ =	strace $0x9000004A  }
0x41: {  	s0 =	sadd.s32 @!p0 $0x100000, s1;
	[bflag:$0x2] =	sbarrier.arrive $0xFFFF  }
0x42: {  	[sflag:s0] =	ssyncadd.tile.s32 @!p0 $0x1;
	_ =	shalt  }
.Lfunc_end1:
_tile_overlayer_lowered:
.L_overlay_start_2:
0x43: {  	(tag) =	ssettag $0x2  }
0x44: {  	s0 =	rddreg [dreg:$0x0];
	s2 =	stileid.u32  }
0x45: {  	s1 =	rddreg [dreg:$0x1];
	p0 =	sne.s32 s2, $0x0  }
0x46: {  	s3 =	rddreg [dreg:$0x2];
	[bflag:$0x3] =	sbarrier.arrive $0xFFFF;
	s2 =	simm.s32 @!p0 $0x1C01  }
0x47: {  	[timem:s3], [sflag:s2] =	dma.local @!p0 [hbm:s0], s1  }
0x48: {  	s0 =	simm.s32 @!p0 $0x1  }
0x49: {  	_ =	swait.ge @!p0 [sflag:s0], s1  }
0x4a: {  	s1 =	ssub.s32 @!p0 $0x0, s1;
	[sflag:s0] =	ssyncset.done @!p0 $0x0  }
0x4b: {  	[sflag:s0] =	ssyncadd.s32 @!p0 s1  }
0x4c: {  	[bflag:$0x3] =	sbarrier.arrive $0xFFFF  }
0x4d: {  	_ =	shalt  }

</sc_bundles>
